<compile_context>
chip_gen: v7x
topology: tpu7x:2x2x1
jax: 0.10.2.dev20260603
libtpu: 0.0.44.dev20260713+nightly
codegen_flags: <defaults>
</compile_context>

<pallas_src>
import jax
import jax.numpy as jnp
from jax import lax
from jax.experimental import pallas as pl
from jax.experimental.pallas import tpu as pltpu
from jax.experimental.pallas import tpu_sc as plsc

N = 10000
D = 128
E = 320000
NC = 2
NS = 16
NW = NC * NS
EPT = E // NW
K = 80
CH = EPT // K
ACC = 10112
SROWS = ACC // NS
ZCP = SROWS // K
ZREM = SROWS % K

_mesh = plsc.VectorSubcoreMesh(core_axis_name="c", subcore_axis_name="s")


def _deg_body(edges_hbm, out_hbm, ones_v, stripe_v, didx, acc, s0, s1, s2, s3):
    sems = (s0, s1, s2, s3)
    c = lax.axis_index("c")
    s = lax.axis_index("s")
    tid = c * NS + s

    for t in range(K // 16):
        ones_v[pl.ds(t * 16, 16)] = jnp.zeros((16,), jnp.float32)
    for t in range(ZCP):
        pltpu.sync_copy(ones_v, acc.at[pl.ds(s * SROWS + t * K, K)])
    pltpu.sync_copy(ones_v.at[pl.ds(0, ZREM)],
                    acc.at[pl.ds(s * SROWS + ZCP * K, ZREM)])

    for t in range(K // 16):
        ones_v[pl.ds(t * 16, 16)] = jnp.ones((16,), jnp.float32)
    plsc.subcore_barrier()

    pltpu.sync_copy(edges_hbm.at[pl.ds(E + tid * EPT, EPT)], didx)

    for b in range(4):
        pltpu.async_copy(ones_v, acc.at[didx.at[pl.ds(b * K, K)]], sems[b], add=True)

    def _step(i, carry):
        for b in range(4):
            j = 4 * i + b
            pltpu.make_async_copy(ones_v, acc.at[didx.at[pl.ds((j - 4) * K, K)]],
                                  sems[b]).wait()

            @pl.when(j < CH)
            def _():
                pltpu.async_copy(ones_v, acc.at[didx.at[pl.ds(j * K, K)]], sems[b],
                                 add=True)

        return carry

    lax.fori_loop(1, (CH + 3) // 4, _step, 0)
    for j in range(4 * ((CH + 3) // 4 - 1), CH):
        pltpu.make_async_copy(ones_v, acc.at[didx.at[pl.ds(j * K, K)]], sems[j % 4]).wait()
    plsc.subcore_barrier()
    pltpu.sync_copy(acc.at[pl.ds(s * SROWS, SROWS)], stripe_v)
    pltpu.sync_copy(stripe_v, out_hbm.at[pl.ds(c * ACC + s * SROWS, SROWS)])


_deg_kernel = pl.kernel(
    _deg_body,
    out_type=jax.ShapeDtypeStruct((NC * ACC,), jnp.float32),
    mesh=_mesh,
    scratch_types=[
        pltpu.VMEM((K,), jnp.float32),
        pltpu.VMEM((SROWS,), jnp.float32),
        pltpu.VMEM((EPT,), jnp.int32),
        pltpu.VMEM_SHARED((ACC,), jnp.float32),
        pltpu.SemaphoreType.DMA,
        pltpu.SemaphoreType.DMA,
        pltpu.SemaphoreType.DMA,
        pltpu.SemaphoreType.DMA,
    ],
)


def _seg_body(h_hbm, edges_hbm, out_hbm, sidx, didx,
              rba, rbb, acc, ga, gb):
    c = lax.axis_index("c")
    s = lax.axis_index("s")
    tid = c * NS + s

    def _zero(r, carry):
        for t in range(D // 16):
            rba[r, pl.ds(t * 16, 16)] = jnp.zeros((16,), jnp.float32)
        return carry

    lax.fori_loop(0, K, _zero, 0)
    for t in range(ZCP):
        pltpu.sync_copy(rba, acc.at[pl.ds(s * SROWS + t * K, K)])
    pltpu.sync_copy(rba.at[pl.ds(0, ZREM)],
                    acc.at[pl.ds(s * SROWS + ZCP * K, ZREM)])
    plsc.subcore_barrier()

    pltpu.sync_copy(edges_hbm.at[pl.ds(tid * EPT, EPT)], sidx)
    pltpu.sync_copy(edges_hbm.at[pl.ds(E + tid * EPT, EPT)], didx)

    def _gidx(j):
        return sidx.at[pl.ds(j * K, K)]

    def _sidx_ref(j):
        return didx.at[pl.ds(j * K, K)]

    pltpu.async_copy(h_hbm.at[_gidx(0)], rba, ga)

    def _step(i, carry):
        ja = 2 * i
        jb = 2 * i + 1
        pltpu.async_copy(h_hbm.at[_gidx(jb)], rbb, gb)
        pltpu.make_async_copy(h_hbm.at[_gidx(ja)], rba, ga).wait()
        pltpu.sync_copy(rba, acc.at[_sidx_ref(ja)], add=True)
        pltpu.async_copy(h_hbm.at[_gidx(jb + 1)], rba, ga)
        pltpu.make_async_copy(h_hbm.at[_gidx(jb)], rbb, gb).wait()
        pltpu.sync_copy(rbb, acc.at[_sidx_ref(jb)], add=True)
        return carry

    lax.fori_loop(0, CH // 2, _step, 0)
    pltpu.make_async_copy(h_hbm.at[_gidx(CH - 1)], rba, ga).wait()
    pltpu.sync_copy(rba, acc.at[_sidx_ref(CH - 1)], add=True)
    plsc.subcore_barrier()
    pltpu.sync_copy(acc.at[pl.ds(s * SROWS, SROWS)],
                    out_hbm.at[c, pl.ds(s * SROWS, SROWS)])


_seg_kernel = pl.kernel(
    _seg_body,
    out_type=jax.ShapeDtypeStruct((NC, ACC, D), jnp.float32),
    mesh=_mesh,
    scratch_types=[
        pltpu.VMEM((EPT,), jnp.int32),
        pltpu.VMEM((EPT,), jnp.int32),
        pltpu.VMEM((K, D), jnp.float32),
        pltpu.VMEM((K, D), jnp.float32),
        pltpu.VMEM_SHARED((ACC, D), jnp.float32),
        pltpu.SemaphoreType.DMA,
        pltpu.SemaphoreType.DMA,
    ],
)


_BLK = 1024
_GRID = (N + _BLK - 1) // _BLK


def _dis_block(dp_b):
    deg = dp_b[0] + dp_b[1] + 1.0
    return lax.rsqrt(deg)[:, None]


def _tc1_body(x_b, w1_b, dp_b, o_b):
    o_b[...] = jnp.dot(x_b[...] * _dis_block(dp_b), w1_b[...],
                       preferred_element_type=jnp.float32)


def _tc2_body(p_b, h1p_b, dp_b, b1_b, w2_b, o_b):
    dis = _dis_block(dp_b)
    sfull = p_b[0] + p_b[1] + h1p_b[...]
    z = jnp.maximum(dis * sfull + b1_b[...], 0.0)
    o_b[...] = jnp.dot(z, w2_b[...], preferred_element_type=jnp.float32) * dis


def _tc3_body(q_b, h2p_b, dp_b, b2_b, o_b):
    dis = _dis_block(dp_b)
    o_b[...] = dis * (q_b[0] + q_b[1] + h2p_b[...]) + b2_b[...]


def _dis_spec():
    return pl.BlockSpec((NC, _BLK), lambda r: (0, r))


def _part_spec():
    return pl.BlockSpec((NC, _BLK, D), lambda r: (0, r, 0))


def _row_spec():
    return pl.BlockSpec((_BLK, D), lambda r: (r, 0))


def _full_spec(rows):
    return pl.BlockSpec((rows, D), lambda r: (0, 0))


_tc1 = pl.pallas_call(
    _tc1_body,
    grid=(_GRID,),
    in_specs=[_row_spec(), _full_spec(D), _dis_spec()],
    out_specs=_row_spec(),
    out_shape=jax.ShapeDtypeStruct((N, D), jnp.float32),
)

_tc2 = pl.pallas_call(
    _tc2_body,
    grid=(_GRID,),
    in_specs=[_part_spec(), _row_spec(), _dis_spec(), _full_spec(1),
              _full_spec(D)],
    out_specs=_row_spec(),
    out_shape=jax.ShapeDtypeStruct((N, D), jnp.float32),
)

_tc3 = pl.pallas_call(
    _tc3_body,
    grid=(_GRID,),
    in_specs=[_part_spec(), _row_spec(), _dis_spec(), _full_spec(1)],
    out_specs=_row_spec(),
    out_shape=jax.ShapeDtypeStruct((N, D), jnp.float32),
)


def kernel(x, edge_index, W1, b1, W2, b2):
    ei = edge_index.astype(jnp.int32)
    eflat = ei.reshape(2 * E)
    b1r = b1.reshape(1, D)
    b2r = b2.reshape(1, D)

    dp = _deg_kernel(eflat).reshape(NC, ACC)
    h1p = _tc1(x, W1, dp)
    p1 = _seg_kernel(h1p, eflat)
    h2p = _tc2(p1, h1p, dp, b1r, W2)
    p2 = _seg_kernel(h2p, eflat)
    return _tc3(p2, h2p, dp, b2r)

# --- scband reference (transcript-rebuilt; emitter-appended) ---
"""Pipeline reference for scband-gnnenocder-13271448945097 (READ-ONLY COPY).

The authoritative reference and input builder live on the scoring server;
editing this copy changes nothing except your own understanding.
"""

import jax, jax.numpy as jnp
import numpy as np

N_NODES = 10000
D = 128
N_EDGES = 320000


def setup_inputs(seed: int = 0) -> dict:
    key = jax.random.key(seed)
    k1, k2, k3, k4, k5, k6 = jax.random.split(key, 6)
    x = jax.random.normal(k1, (N_NODES, D), dtype=jnp.float32)
    edge_index = jax.random.randint(k2, (2, N_EDGES), 0, N_NODES, dtype=jnp.int64)
    # GCN layer parameters (num_layers=2): W [in,out], bias [out]
    W1 = jax.random.normal(k3, (D, D), dtype=jnp.float32) * (1.0 / np.sqrt(D))
    b1 = jnp.zeros((D,), dtype=jnp.float32)
    W2 = jax.random.normal(k4, (D, D), dtype=jnp.float32) * (1.0 / np.sqrt(D))
    b2 = jnp.zeros((D,), dtype=jnp.float32)
    return {"x": x, "edge_index": edge_index, "W1": W1, "b1": b1, "W2": W2, "b2": b2}


def _gcn_conv(x, src, dst, norm, W, b, num_nodes):
    # x' = D^{-1/2} (A + I) D^{-1/2} (x W) + b
    h = x @ W
    msg = jnp.take(h, src, axis=0) * norm[:, None]
    out = jnp.zeros((num_nodes, h.shape[1]), dtype=h.dtype).at[dst].add(msg)
    return out + b


def _build_norm(edge_index, num_nodes):
    # add self loops (self_loop=True)
    loop = jnp.arange(num_nodes, dtype=edge_index.dtype)
    src = jnp.concatenate([edge_index[0], loop])
    dst = jnp.concatenate([edge_index[1], loop])
    deg = jnp.zeros((num_nodes,), dtype=jnp.float32).at[dst].add(1.0)
    deg_inv_sqrt = 1.0 / jnp.sqrt(jnp.clip(deg, 1.0, None))
    norm = deg_inv_sqrt[src] * deg_inv_sqrt[dst]
    return src, dst, norm


def reference(x, edge_index, W1, b1, W2, b2):
    num_nodes = x.shape[0]
    src, dst, norm = _build_norm(edge_index, num_nodes)
    # layer 1 + relu (dropout p=0.0 -> identity; pairnorm_mode=None)
    h = _gcn_conv(x, src, dst, norm, W1, b1, num_nodes)
    h = jax.nn.relu(h)
    # layer 2 (final, no activation)
    out = _gcn_conv(h, src, dst, norm, W2, b2, num_nodes)
    return out

if __name__ == "__main__":
    import jax
    _d = setup_inputs()
    print(jax.jit(kernel)(*tuple(_d.values())))

</pallas_src>

<mosaic_0001>
#map = affine_map<(d0, d1) -> (0, 0)>
#map1 = affine_map<(d0, d1) -> (0)>
#map2 = affine_map<(d0, d1) -> (0, 0, 0)>
module attributes {stable_mosaic.version = 14 : i64} {
  func.func @_seg_body(%arg0: i32, %arg1: i32, %arg2: memref<10000x128xf32, #tpu.memory_space<hbm>>, %arg3: memref<640000xi32, #tpu.memory_space<hbm>>, %arg4: memref<2x10112x128xf32, #tpu.memory_space<hbm>>, %arg5: memref<10000xi32, #tpu.memory_space<vmem>>, %arg6: memref<10000xi32, #tpu.memory_space<vmem>>, %arg7: memref<80x128xf32, #tpu.memory_space<vmem>>, %arg8: memref<80x128xf32, #tpu.memory_space<vmem>>, %arg9: memref<10112x128xf32, #tpu.memory_space<vmem_shared>>, %arg10: memref<!tpu.dma_semaphore, #tpu.memory_space<semaphore_mem>>, %arg11: memref<!tpu.dma_semaphore, #tpu.memory_space<semaphore_mem>>) attributes {dimension_semantics = [#tpu.dimension_semantics<core_parallel>, #tpu.dimension_semantics<subcore_parallel>], iteration_bounds = array<i64: 2, 16>, scalar_prefetch = 0 : i64, scratch_operands = 7 : i64, tpu.core_type = #tpu.core_type<sc_vector_subcore>, window_params = [{transform_indices = #map}, {transform_indices = #map1}, {transform_indices = #map2}]} {
    %mul3A = arith.constant 16 : i32
    %mul3A_0 = arith.muli %arg0, %mul3A : i32
    %add3A = arith.addi %mul3A_0, %arg1 : i32
    %scan3A = arith.constant 0 : i32
    %scan3A_1 = arith.constant 0 : i32
    %scan3A_2 = arith.constant 80 : i32
    %scan3A_3 = arith.addi %scan3A_1, %scan3A_2 : i32
    %scan3A_4 = arith.constant 1 : i32
    scf.for %scan3A_63 = %scan3A_1 to %scan3A_3 step %scan3A_4  : i32 {
      %broadcast_in_dim3A = arith.constant 0.000000e+00 : f32
      %broadcast_in_dim3A_64 = vector.broadcast %broadcast_in_dim3A : f32 to vector<16xf32>
      %swap3A = arith.index_cast %scan3A_63 : i32 to index
      %swap3A_65 = arith.constant 0 : index
      %swap3A_66 = tpu.vector_load %arg7[%swap3A, %swap3A_65] {strides = array<i32>} : memref<80x128xf32, #tpu.memory_space<vmem>>, vector<1x16xf32>,
      %swap3A_67 = vector.shape_cast %swap3A_66 : vector<1x16xf32> to vector<16xf32>
      %swap3A_68 = vector.shape_cast %broadcast_in_dim3A_64 : vector<16xf32> to vector<1x16xf32>
      tpu.vector_store %arg7[%swap3A, %swap3A_65], %swap3A_68 {strides = array<i32>} : memref<80x128xf32, #tpu.memory_space<vmem>>, vector<1x16xf32>,
      %broadcast_in_dim3A_69 = arith.constant 0.000000e+00 : f32
      %broadcast_in_dim3A_70 = vector.broadcast %broadcast_in_dim3A_69 : f32 to vector<16xf32>
      %swap3A_71 = arith.index_cast %scan3A_63 : i32 to index
      %swap3A_72 = arith.constant 16 : index
      %swap3A_73 = tpu.vector_load %arg7[%swap3A_71, %swap3A_72] {strides = array<i32>} : memref<80x128xf32, #tpu.memory_space<vmem>>, vector<1x16xf32>,
      %swap3A_74 = vector.shape_cast %swap3A_73 : vector<1x16xf32> to vector<16xf32>
      %swap3A_75 = vector.shape_cast %broadcast_in_dim3A_70 : vector<16xf32> to vector<1x16xf32>
      tpu.vector_store %arg7[%swap3A_71, %swap3A_72], %swap3A_75 {strides = array<i32>} : memref<80x128xf32, #tpu.memory_space<vmem>>, vector<1x16xf32>,
      %broadcast_in_dim3A_76 = arith.constant 0.000000e+00 : f32
      %broadcast_in_dim3A_77 = vector.broadcast %broadcast_in_dim3A_76 : f32 to vector<16xf32>
      %swap3A_78 = arith.index_cast %scan3A_63 : i32 to index
      %swap3A_79 = arith.constant 32 : index
      %swap3A_80 = tpu.vector_load %arg7[%swap3A_78, %swap3A_79] {strides = array<i32>} : memref<80x128xf32, #tpu.memory_space<vmem>>, vector<1x16xf32>,
      %swap3A_81 = vector.shape_cast %swap3A_80 : vector<1x16xf32> to vector<16xf32>
      %swap3A_82 = vector.shape_cast %broadcast_in_dim3A_77 : vector<16xf32> to vector<1x16xf32>
      tpu.vector_store %arg7[%swap3A_78, %swap3A_79], %swap3A_82 {strides = array<i32>} : memref<80x128xf32, #tpu.memory_space<vmem>>, vector<1x16xf32>,
      %broadcast_in_dim3A_83 = arith.constant 0.000000e+00 : f32
      %broadcast_in_dim3A_84 = vector.broadcast %broadcast_in_dim3A_83 : f32 to vector<16xf32>
      %swap3A_85 = arith.index_cast %scan3A_63 : i32 to index
      %swap3A_86 = arith.constant 48 : index
      %swap3A_87 = tpu.vector_load %arg7[%swap3A_85, %swap3A_86] {strides = array<i32>} : memref<80x128xf32, #tpu.memory_space<vmem>>, vector<1x16xf32>,
      %swap3A_88 = vector.shape_cast %swap3A_87 : vector<1x16xf32> to vector<16xf32>
      %swap3A_89 = vector.shape_cast %broadcast_in_dim3A_84 : vector<16xf32> to vector<1x16xf32>
      tpu.vector_store %arg7[%swap3A_85, %swap3A_86], %swap3A_89 {strides = array<i32>} : memref<80x128xf32, #tpu.memory_space<vmem>>, vector<1x16xf32>,
      %broadcast_in_dim3A_90 = arith.constant 0.000000e+00 : f32
      %broadcast_in_dim3A_91 = vector.broadcast %broadcast_in_dim3A_90 : f32 to vector<16xf32>
      %swap3A_92 = arith.index_cast %scan3A_63 : i32 to index
      %swap3A_93 = arith.constant 64 : index
      %swap3A_94 = tpu.vector_load %arg7[%swap3A_92, %swap3A_93] {strides = array<i32>} : memref<80x128xf32, #tpu.memory_space<vmem>>, vector<1x16xf32>,
      %swap3A_95 = vector.shape_cast %swap3A_94 : vector<1x16xf32> to vector<16xf32>
      %swap3A_96 = vector.shape_cast %broadcast_in_dim3A_91 : vector<16xf32> to vector<1x16xf32>
      tpu.vector_store %arg7[%swap3A_92, %swap3A_93], %swap3A_96 {strides = array<i32>} : memref<80x128xf32, #tpu.memory_space<vmem>>, vector<1x16xf32>,
      %broadcast_in_dim3A_97 = arith.constant 0.000000e+00 : f32
      %broadcast_in_dim3A_98 = vector.broadcast %broadcast_in_dim3A_97 : f32 to vector<16xf32>
      %swap3A_99 = arith.index_cast %scan3A_63 : i32 to index
      %swap3A_100 = arith.constant 80 : index
      %swap3A_101 = tpu.vector_load %arg7[%swap3A_99, %swap3A_100] {strides = array<i32>} : memref<80x128xf32, #tpu.memory_space<vmem>>, vector<1x16xf32>,
      %swap3A_102 = vector.shape_cast %swap3A_101 : vector<1x16xf32> to vector<16xf32>
      %swap3A_103 = vector.shape_cast %broadcast_in_dim3A_98 : vector<16xf32> to vector<1x16xf32>
      tpu.vector_store %arg7[%swap3A_99, %swap3A_100], %swap3A_103 {strides = array<i32>} : memref<80x128xf32, #tpu.memory_space<vmem>>, vector<1x16xf32>,
      %broadcast_in_dim3A_104 = arith.constant 0.000000e+00 : f32
      %broadcast_in_dim3A_105 = vector.broadcast %broadcast_in_dim3A_104 : f32 to vector<16xf32>
      %swap3A_106 = arith.index_cast %scan3A_63 : i32 to index
      %swap3A_107 = arith.constant 96 : index
      %swap3A_108 = tpu.vector_load %arg7[%swap3A_106, %swap3A_107] {strides = array<i32>} : memref<80x128xf32, #tpu.memory_space<vmem>>, vector<1x16xf32>,
      %swap3A_109 = vector.shape_cast %swap3A_108 : vector<1x16xf32> to vector<16xf32>
      %swap3A_110 = vector.shape_cast %broadcast_in_dim3A_105 : vector<16xf32> to vector<1x16xf32>
      tpu.vector_store %arg7[%swap3A_106, %swap3A_107], %swap3A_110 {strides = array<i32>} : memref<80x128xf32, #tpu.memory_space<vmem>>, vector<1x16xf32>,
      %broadcast_in_dim3A_111 = arith.constant 0.000000e+00 : f32
      %broadcast_in_dim3A_112 = vector.broadcast %broadcast_in_dim3A_111 : f32 to vector<16xf32>
      %swap3A_113 = arith.index_cast %scan3A_63 : i32 to index
      %swap3A_114 = arith.constant 112 : index
      %swap3A_115 = tpu.vector_load %arg7[%swap3A_113, %swap3A_114] {strides = array<i32>} : memref<80x128xf32, #tpu.memory_space<vmem>>, vector<1x16xf32>,
      %swap3A_116 = vector.shape_cast %swap3A_115 : vector<1x16xf32> to vector<16xf32>
      %swap3A_117 = vector.shape_cast %broadcast_in_dim3A_112 : vector<16xf32> to vector<1x16xf32>
      tpu.vector_store %arg7[%swap3A_113, %swap3A_114], %swap3A_117 {strides = array<i32>} : memref<80x128xf32, #tpu.memory_space<vmem>>, vector<1x16xf32>,
    }
    %scan3A_5 = arith.constant 80 : i32
    %mul3A_6 = arith.constant 632 : i32
    %mul3A_7 = arith.muli %arg1, %mul3A_6 : i32
    %add3A_8 = arith.constant 0 : i32
    %add3A_9 = arith.addi %mul3A_7, %add3A_8 : i32
    "tpu.region"() ({
      %run_scoped3A = tpu.sem_alloc : memref<!tpu.dma_semaphore, #tpu.memory_space<semaphore_mem>>
      %dma_start3A_63 = arith.constant 0 : i32
      %dma_start3A_64 = tpu.memref_slice %arg9[%add3A_9, %dma_start3A_63] : memref<10112x128xf32, #tpu.memory_space<vmem_shared>> -> memref<80x128xf32, #tpu.memory_space<vmem_shared>>
      %dma_start3A_65 = arith.constant 0 : i32
      %dma_start3A_66 = tpu.memref_slice %arg9[%add3A_9, %dma_start3A_65] : memref<10112x128xf32, #tpu.memory_space<vmem_shared>> -> memref<80x128xf32, #tpu.memory_space<vmem_shared>>
      tpu.enqueue_dma source(%arg7 : memref<80x128xf32, #tpu.memory_space<vmem>>) target(%dma_start3A_66 : memref<80x128xf32, #tpu.memory_space<vmem_shared>>) target_semaphore(%run_scoped3A : memref<!tpu.dma_semaphore, #tpu.memory_space<semaphore_mem>>)
      %dma_wait3A_67 = arith.constant 0 : i32
      %dma_wait3A_68 = tpu.memref_slice %arg9[%add3A_9, %dma_wait3A_67] : memref<10112x128xf32, #tpu.memory_space<vmem_shared>> -> memref<80x128xf32, #tpu.memory_space<vmem_shared>>
      %dma_wait3A_69 = arith.constant 0 : i32
      %dma_wait3A_70 = tpu.memref_slice %arg9[%add3A_9, %dma_wait3A_69] : memref<10112x128xf32, #tpu.memory_space<vmem_shared>> -> memref<80x128xf32, #tpu.memory_space<vmem_shared>>
      tpu.wait_dma2 semaphore(%run_scoped3A : memref<!tpu.dma_semaphore, #tpu.memory_space<semaphore_mem>>) src(%arg7 : memref<80x128xf32, #tpu.memory_space<vmem>>) dst(%dma_wait3A_70 : memref<80x128xf32, #tpu.memory_space<vmem_shared>>)
      tpu.yield
    }) : () -> ()
    %mul3A_10 = arith.constant 632 : i32
    %mul3A_11 = arith.muli %arg1, %mul3A_10 : i32
    %add3A_12 = arith.constant 80 : i32
    %add3A_13 = arith.addi %mul3A_11, %add3A_12 : i32
    "tpu.region"() ({
      %run_scoped3A = tpu.sem_alloc : memref<!tpu.dma_semaphore, #tpu.memory_space<semaphore_mem>>
      %dma_start3A_63 = arith.constant 0 : i32
      %dma_start3A_64 = tpu.memref_slice %arg9[%add3A_13, %dma_start3A_63] : memref<10112x128xf32, #tpu.memory_space<vmem_shared>> -> memref<80x128xf32, #tpu.memory_space<vmem_shared>>
      %dma_start3A_65 = arith.constant 0 : i32
      %dma_start3A_66 = tpu.memref_slice %arg9[%add3A_13, %dma_start3A_65] : memref<10112x128xf32, #tpu.memory_space<vmem_shared>> -> memref<80x128xf32, #tpu.memory_space<vmem_shared>>
      tpu.enqueue_dma source(%arg7 : memref<80x128xf32, #tpu.memory_space<vmem>>) target(%dma_start3A_66 : memref<80x128xf32, #tpu.memory_space<vmem_shared>>) target_semaphore(%run_scoped3A : memref<!tpu.dma_semaphore, #tpu.memory_space<semaphore_mem>>)
      %dma_wait3A_67 = arith.constant 0 : i32
      %dma_wait3A_68 = tpu.memref_slice %arg9[%add3A_13, %dma_wait3A_67] : memref<10112x128xf32, #tpu.memory_space<vmem_shared>> -> memref<80x128xf32, #tpu.memory_space<vmem_shared>>
      %dma_wait3A_69 = arith.constant 0 : i32
      %dma_wait3A_70 = tpu.memref_slice %arg9[%add3A_13, %dma_wait3A_69] : memref<10112x128xf32, #tpu.memory_space<vmem_shared>> -> memref<80x128xf32, #tpu.memory_space<vmem_shared>>
      tpu.wait_dma2 semaphore(%run_scoped3A : memref<!tpu.dma_semaphore, #tpu.memory_space<semaphore_mem>>) src(%arg7 : memref<80x128xf32, #tpu.memory_space<vmem>>) dst(%dma_wait3A_70 : memref<80x128xf32, #tpu.memory_space<vmem_shared>>)
      tpu.yield
    }) : () -> ()
    %mul3A_14 = arith.constant 632 : i32
    %mul3A_15 = arith.muli %arg1, %mul3A_14 : i32
    %add3A_16 = arith.constant 160 : i32
    %add3A_17 = arith.addi %mul3A_15, %add3A_16 : i32
    "tpu.region"() ({
      %run_scoped3A = tpu.sem_alloc : memref<!tpu.dma_semaphore, #tpu.memory_space<semaphore_mem>>
      %dma_start3A_63 = arith.constant 0 : i32
      %dma_start3A_64 = tpu.memref_slice %arg9[%add3A_17, %dma_start3A_63] : memref<10112x128xf32, #tpu.memory_space<vmem_shared>> -> memref<80x128xf32, #tpu.memory_space<vmem_shared>>
      %dma_start3A_65 = arith.constant 0 : i32
      %dma_start3A_66 = tpu.memref_slice %arg9[%add3A_17, %dma_start3A_65] : memref<10112x128xf32, #tpu.memory_space<vmem_shared>> -> memref<80x128xf32, #tpu.memory_space<vmem_shared>>
      tpu.enqueue_dma source(%arg7 : memref<80x128xf32, #tpu.memory_space<vmem>>) target(%dma_start3A_66 : memref<80x128xf32, #tpu.memory_space<vmem_shared>>) target_semaphore(%run_scoped3A : memref<!tpu.dma_semaphore, #tpu.memory_space<semaphore_mem>>)
      %dma_wait3A_67 = arith.constant 0 : i32
      %dma_wait3A_68 = tpu.memref_slice %arg9[%add3A_17, %dma_wait3A_67] : memref<10112x128xf32, #tpu.memory_space<vmem_shared>> -> memref<80x128xf32, #tpu.memory_space<vmem_shared>>
      %dma_wait3A_69 = arith.constant 0 : i32
      %dma_wait3A_70 = tpu.memref_slice %arg9[%add3A_17, %dma_wait3A_69] : memref<10112x128xf32, #tpu.memory_space<vmem_shared>> -> memref<80x128xf32, #tpu.memory_space<vmem_shared>>
      tpu.wait_dma2 semaphore(%run_scoped3A : memref<!tpu.dma_semaphore, #tpu.memory_space<semaphore_mem>>) src(%arg7 : memref<80x128xf32, #tpu.memory_space<vmem>>) dst(%dma_wait3A_70 : memref<80x128xf32, #tpu.memory_space<vmem_shared>>)
      tpu.yield
    }) : () -> ()
    %mul3A_18 = arith.constant 632 : i32
    %mul3A_19 = arith.muli %arg1, %mul3A_18 : i32
    %add3A_20 = arith.constant 240 : i32
    %add3A_21 = arith.addi %mul3A_19, %add3A_20 : i32
    "tpu.region"() ({
      %run_scoped3A = tpu.sem_alloc : memref<!tpu.dma_semaphore, #tpu.memory_space<semaphore_mem>>
      %dma_start3A_63 = arith.constant 0 : i32
      %dma_start3A_64 = tpu.memref_slice %arg9[%add3A_21, %dma_start3A_63] : memref<10112x128xf32, #tpu.memory_space<vmem_shared>> -> memref<80x128xf32, #tpu.memory_space<vmem_shared>>
      %dma_start3A_65 = arith.constant 0 : i32
      %dma_start3A_66 = tpu.memref_slice %arg9[%add3A_21, %dma_start3A_65] : memref<10112x128xf32, #tpu.memory_space<vmem_shared>> -> memref<80x128xf32, #tpu.memory_space<vmem_shared>>
      tpu.enqueue_dma source(%arg7 : memref<80x128xf32, #tpu.memory_space<vmem>>) target(%dma_start3A_66 : memref<80x128xf32, #tpu.memory_space<vmem_shared>>) target_semaphore(%run_scoped3A : memref<!tpu.dma_semaphore, #tpu.memory_space<semaphore_mem>>)
      %dma_wait3A_67 = arith.constant 0 : i32
      %dma_wait3A_68 = tpu.memref_slice %arg9[%add3A_21, %dma_wait3A_67] : memref<10112x128xf32, #tpu.memory_space<vmem_shared>> -> memref<80x128xf32, #tpu.memory_space<vmem_shared>>
      %dma_wait3A_69 = arith.constant 0 : i32
      %dma_wait3A_70 = tpu.memref_slice %arg9[%add3A_21, %dma_wait3A_69] : memref<10112x128xf32, #tpu.memory_space<vmem_shared>> -> memref<80x128xf32, #tpu.memory_space<vmem_shared>>
      tpu.wait_dma2 semaphore(%run_scoped3A : memref<!tpu.dma_semaphore, #tpu.memory_space<semaphore_mem>>) src(%arg7 : memref<80x128xf32, #tpu.memory_space<vmem>>) dst(%dma_wait3A_70 : memref<80x128xf32, #tpu.memory_space<vmem_shared>>)
      tpu.yield
    }) : () -> ()
    %mul3A_22 = arith.constant 632 : i32
    %mul3A_23 = arith.muli %arg1, %mul3A_22 : i32
    %add3A_24 = arith.constant 320 : i32
    %add3A_25 = arith.addi %mul3A_23, %add3A_24 : i32
    "tpu.region"() ({
      %run_scoped3A = tpu.sem_alloc : memref<!tpu.dma_semaphore, #tpu.memory_space<semaphore_mem>>
      %dma_start3A_63 = arith.constant 0 : i32
      %dma_start3A_64 = tpu.memref_slice %arg9[%add3A_25, %dma_start3A_63] : memref<10112x128xf32, #tpu.memory_space<vmem_shared>> -> memref<80x128xf32, #tpu.memory_space<vmem_shared>>
      %dma_start3A_65 = arith.constant 0 : i32
      %dma_start3A_66 = tpu.memref_slice %arg9[%add3A_25, %dma_start3A_65] : memref<10112x128xf32, #tpu.memory_space<vmem_shared>> -> memref<80x128xf32, #tpu.memory_space<vmem_shared>>
      tpu.enqueue_dma source(%arg7 : memref<80x128xf32, #tpu.memory_space<vmem>>) target(%dma_start3A_66 : memref<80x128xf32, #tpu.memory_space<vmem_shared>>) target_semaphore(%run_scoped3A : memref<!tpu.dma_semaphore, #tpu.memory_space<semaphore_mem>>)
      %dma_wait3A_67 = arith.constant 0 : i32
      %dma_wait3A_68 = tpu.memref_slice %arg9[%add3A_25, %dma_wait3A_67] : memref<10112x128xf32, #tpu.memory_space<vmem_shared>> -> memref<80x128xf32, #tpu.memory_space<vmem_shared>>
      %dma_wait3A_69 = arith.constant 0 : i32
      %dma_wait3A_70 = tpu.memref_slice %arg9[%add3A_25, %dma_wait3A_69] : memref<10112x128xf32, #tpu.memory_space<vmem_shared>> -> memref<80x128xf32, #tpu.memory_space<vmem_shared>>
      tpu.wait_dma2 semaphore(%run_scoped3A : memref<!tpu.dma_semaphore, #tpu.memory_space<semaphore_mem>>) src(%arg7 : memref<80x128xf32, #tpu.memory_space<vmem>>) dst(%dma_wait3A_70 : memref<80x128xf32, #tpu.memory_space<vmem_shared>>)
      tpu.yield
    }) : () -> ()
    %mul3A_26 = arith.constant 632 : i32
    %mul3A_27 = arith.muli %arg1, %mul3A_26 : i32
    %add3A_28 = arith.constant 400 : i32
    %add3A_29 = arith.addi %mul3A_27, %add3A_28 : i32
    "tpu.region"() ({
      %run_scoped3A = tpu.sem_alloc : memref<!tpu.dma_semaphore, #tpu.memory_space<semaphore_mem>>
      %dma_start3A_63 = arith.constant 0 : i32
      %dma_start3A_64 = tpu.memref_slice %arg9[%add3A_29, %dma_start3A_63] : memref<10112x128xf32, #tpu.memory_space<vmem_shared>> -> memref<80x128xf32, #tpu.memory_space<vmem_shared>>
      %dma_start3A_65 = arith.constant 0 : i32
      %dma_start3A_66 = tpu.memref_slice %arg9[%add3A_29, %dma_start3A_65] : memref<10112x128xf32, #tpu.memory_space<vmem_shared>> -> memref<80x128xf32, #tpu.memory_space<vmem_shared>>
      tpu.enqueue_dma source(%arg7 : memref<80x128xf32, #tpu.memory_space<vmem>>) target(%dma_start3A_66 : memref<80x128xf32, #tpu.memory_space<vmem_shared>>) target_semaphore(%run_scoped3A : memref<!tpu.dma_semaphore, #tpu.memory_space<semaphore_mem>>)
      %dma_wait3A_67 = arith.constant 0 : i32
      %dma_wait3A_68 = tpu.memref_slice %arg9[%add3A_29, %dma_wait3A_67] : memref<10112x128xf32, #tpu.memory_space<vmem_shared>> -> memref<80x128xf32, #tpu.memory_space<vmem_shared>>
      %dma_wait3A_69 = arith.constant 0 : i32
      %dma_wait3A_70 = tpu.memref_slice %arg9[%add3A_29, %dma_wait3A_69] : memref<10112x128xf32, #tpu.memory_space<vmem_shared>> -> memref<80x128xf32, #tpu.memory_space<vmem_shared>>
      tpu.wait_dma2 semaphore(%run_scoped3A : memref<!tpu.dma_semaphore, #tpu.memory_space<semaphore_mem>>) src(%arg7 : memref<80x128xf32, #tpu.memory_space<vmem>>) dst(%dma_wait3A_70 : memref<80x128xf32, #tpu.memory_space<vmem_shared>>)
      tpu.yield
    }) : () -> ()
    %mul3A_30 = arith.constant 632 : i32
    %mul3A_31 = arith.muli %arg1, %mul3A_30 : i32
    %add3A_32 = arith.constant 480 : i32
    %add3A_33 = arith.addi %mul3A_31, %add3A_32 : i32
    "tpu.region"() ({
      %run_scoped3A = tpu.sem_alloc : memref<!tpu.dma_semaphore, #tpu.memory_space<semaphore_mem>>
      %dma_start3A_63 = arith.constant 0 : i32
      %dma_start3A_64 = tpu.memref_slice %arg9[%add3A_33, %dma_start3A_63] : memref<10112x128xf32, #tpu.memory_space<vmem_shared>> -> memref<80x128xf32, #tpu.memory_space<vmem_shared>>
      %dma_start3A_65 = arith.constant 0 : i32
      %dma_start3A_66 = tpu.memref_slice %arg9[%add3A_33, %dma_start3A_65] : memref<10112x128xf32, #tpu.memory_space<vmem_shared>> -> memref<80x128xf32, #tpu.memory_space<vmem_shared>>
      tpu.enqueue_dma source(%arg7 : memref<80x128xf32, #tpu.memory_space<vmem>>) target(%dma_start3A_66 : memref<80x128xf32, #tpu.memory_space<vmem_shared>>) target_semaphore(%run_scoped3A : memref<!tpu.dma_semaphore, #tpu.memory_space<semaphore_mem>>)
      %dma_wait3A_67 = arith.constant 0 : i32
      %dma_wait3A_68 = tpu.memref_slice %arg9[%add3A_33, %dma_wait3A_67] : memref<10112x128xf32, #tpu.memory_space<vmem_shared>> -> memref<80x128xf32, #tpu.memory_space<vmem_shared>>
      %dma_wait3A_69 = arith.constant 0 : i32
      %dma_wait3A_70 = tpu.memref_slice %arg9[%add3A_33, %dma_wait3A_69] : memref<10112x128xf32, #tpu.memory_space<vmem_shared>> -> memref<80x128xf32, #tpu.memory_space<vmem_shared>>
      tpu.wait_dma2 semaphore(%run_scoped3A : memref<!tpu.dma_semaphore, #tpu.memory_space<semaphore_mem>>) src(%arg7 : memref<80x128xf32, #tpu.memory_space<vmem>>) dst(%dma_wait3A_70 : memref<80x128xf32, #tpu.memory_space<vmem_shared>>)
      tpu.yield
    }) : () -> ()
    %mul3A_34 = arith.constant 632 : i32
    %mul3A_35 = arith.muli %arg1, %mul3A_34 : i32
    %add3A_36 = arith.constant 560 : i32
    %add3A_37 = arith.addi %mul3A_35, %add3A_36 : i32
    "tpu.region"() ({
      %run_scoped3A = tpu.sem_alloc : memref<!tpu.dma_semaphore, #tpu.memory_space<semaphore_mem>>
      %dma_start3A_63 = arith.constant 0 : i32
      %dma_start3A_64 = arith.constant 0 : i32
      %dma_start3A_65 = tpu.memref_slice %arg7[%dma_start3A_63, %dma_start3A_64] : memref<80x128xf32, #tpu.memory_space<vmem>> -> memref<72x128xf32, #tpu.memory_space<vmem>>
      %dma_start3A_66 = arith.constant 0 : i32
      %dma_start3A_67 = tpu.memref_slice %arg9[%add3A_37, %dma_start3A_66] : memref<10112x128xf32, #tpu.memory_space<vmem_shared>> -> memref<72x128xf32, #tpu.memory_space<vmem_shared>>
      %dma_start3A_68 = arith.constant 0 : i32
      %dma_start3A_69 = tpu.memref_slice %arg9[%add3A_37, %dma_start3A_68] : memref<10112x128xf32, #tpu.memory_space<vmem_shared>> -> memref<72x128xf32, #tpu.memory_space<vmem_shared>>
      %dma_start3A_70 = arith.constant 0 : i32
      %dma_start3A_71 = arith.constant 0 : i32
      %dma_start3A_72 = tpu.memref_slice %arg7[%dma_start3A_70, %dma_start3A_71] : memref<80x128xf32, #tpu.memory_space<vmem>> -> memref<72x128xf32, #tpu.memory_space<vmem>>
      tpu.enqueue_dma source(%dma_start3A_72 : memref<72x128xf32, #tpu.memory_space<vmem>>) target(%dma_start3A_69 : memref<72x128xf32, #tpu.memory_space<vmem_shared>>) target_semaphore(%run_scoped3A : memref<!tpu.dma_semaphore, #tpu.memory_space<semaphore_mem>>)
      %dma_wait3A_73 = arith.constant 0 : i32
      %dma_wait3A_74 = arith.constant 0 : i32
      %dma_wait3A_75 = tpu.memref_slice %arg7[%dma_wait3A_73, %dma_wait3A_74] : memref<80x128xf32, #tpu.memory_space<vmem>> -> memref<72x128xf32, #tpu.memory_space<vmem>>
      %dma_wait3A_76 = arith.constant 0 : i32
      %dma_wait3A_77 = tpu.memref_slice %arg9[%add3A_37, %dma_wait3A_76] : memref<10112x128xf32, #tpu.memory_space<vmem_shared>> -> memref<72x128xf32, #tpu.memory_space<vmem_shared>>
      %dma_wait3A_78 = arith.constant 0 : i32
      %dma_wait3A_79 = tpu.memref_slice %arg9[%add3A_37, %dma_wait3A_78] : memref<10112x128xf32, #tpu.memory_space<vmem_shared>> -> memref<72x128xf32, #tpu.memory_space<vmem_shared>>
      %dma_wait3A_80 = arith.constant 0 : i32
      %dma_wait3A_81 = arith.constant 0 : i32
      %dma_wait3A_82 = tpu.memref_slice %arg7[%dma_wait3A_80, %dma_wait3A_81] : memref<80x128xf32, #tpu.memory_space<vmem>> -> memref<72x128xf32, #tpu.memory_space<vmem>>
      tpu.wait_dma2 semaphore(%run_scoped3A : memref<!tpu.dma_semaphore, #tpu.memory_space<semaphore_mem>>) src(%dma_wait3A_82 : memref<72x128xf32, #tpu.memory_space<vmem>>) dst(%dma_wait3A_79 : memref<72x128xf32, #tpu.memory_space<vmem_shared>>)
      tpu.yield
    }) : () -> ()
    %barrier3A = arith.constant 0 : index
    tpu.barrier barrier_id(%barrier3A)
    %mul3A_38 = arith.constant 10000 : i32
    %mul3A_39 = arith.muli %add3A, %mul3A_38 : i32
    "tpu.region"() ({
      %run_scoped3A = tpu.sem_alloc : memref<!tpu.dma_semaphore, #tpu.memory_space<semaphore_mem>>
      %dma_start3A_63 = tpu.memref_slice %arg3[%mul3A_39] : memref<640000xi32, #tpu.memory_space<hbm>> -> memref<10000xi32, #tpu.memory_space<hbm>>
      %dma_start3A_64 = tpu.memref_slice %arg3[%mul3A_39] : memref<640000xi32, #tpu.memory_space<hbm>> -> memref<10000xi32, #tpu.memory_space<hbm>>
      tpu.enqueue_dma source(%dma_start3A_64 : memref<10000xi32, #tpu.memory_space<hbm>>) target(%arg5 : memref<10000xi32, #tpu.memory_space<vmem>>) target_semaphore(%run_scoped3A : memref<!tpu.dma_semaphore, #tpu.memory_space<semaphore_mem>>)
      %dma_wait3A_65 = tpu.memref_slice %arg3[%mul3A_39] : memref<640000xi32, #tpu.memory_space<hbm>> -> memref<10000xi32, #tpu.memory_space<hbm>>
      %dma_wait3A_66 = tpu.memref_slice %arg3[%mul3A_39] : memref<640000xi32, #tpu.memory_space<hbm>> -> memref<10000xi32, #tpu.memory_space<hbm>>
      tpu.wait_dma2 semaphore(%run_scoped3A : memref<!tpu.dma_semaphore, #tpu.memory_space<semaphore_mem>>) src(%dma_wait3A_66 : memref<10000xi32, #tpu.memory_space<hbm>>) dst(%arg5 : memref<10000xi32, #tpu.memory_space<vmem>>)
      tpu.yield
    }) : () -> ()
    %mul3A_40 = arith.constant 10000 : i32
    %mul3A_41 = arith.muli %add3A, %mul3A_40 : i32
    %add3A_42 = arith.constant 320000 : i32
    %add3A_43 = arith.addi %add3A_42, %mul3A_41 : i32
    "tpu.region"() ({
      %run_scoped3A = tpu.sem_alloc : memref<!tpu.dma_semaphore, #tpu.memory_space<semaphore_mem>>
      %dma_start3A_63 = tpu.memref_slice %arg3[%add3A_43] : memref<640000xi32, #tpu.memory_space<hbm>> -> memref<10000xi32, #tpu.memory_space<hbm>>
      %dma_start3A_64 = tpu.memref_slice %arg3[%add3A_43] : memref<640000xi32, #tpu.memory_space<hbm>> -> memref<10000xi32, #tpu.memory_space<hbm>>
      tpu.enqueue_dma source(%dma_start3A_64 : memref<10000xi32, #tpu.memory_space<hbm>>) target(%arg6 : memref<10000xi32, #tpu.memory_space<vmem>>) target_semaphore(%run_scoped3A : memref<!tpu.dma_semaphore, #tpu.memory_space<semaphore_mem>>)
      %dma_wait3A_65 = tpu.memref_slice %arg3[%add3A_43] : memref<640000xi32, #tpu.memory_space<hbm>> -> memref<10000xi32, #tpu.memory_space<hbm>>
      %dma_wait3A_66 = tpu.memref_slice %arg3[%add3A_43] : memref<640000xi32, #tpu.memory_space<hbm>> -> memref<10000xi32, #tpu.memory_space<hbm>>
      tpu.wait_dma2 semaphore(%run_scoped3A : memref<!tpu.dma_semaphore, #tpu.memory_space<semaphore_mem>>) src(%dma_wait3A_66 : memref<10000xi32, #tpu.memory_space<hbm>>) dst(%arg6 : memref<10000xi32, #tpu.memory_space<vmem>>)
      tpu.yield
    }) : () -> ()
    %dma_start3A = arith.constant 0 : i32
    %dma_start3A_44 = tpu.memref_slice %arg5[%dma_start3A] : memref<10000xi32, #tpu.memory_space<vmem>> -> memref<80xi32, #tpu.memory_space<vmem>>
    %dma_start3A_45 = arith.constant 0 : i32
    %dma_start3A_46 = arith.constant 0 : i32
    %dma_start3A_47 = tpu.memref_slice %arg2[%dma_start3A_45, %dma_start3A_46] : memref<10000x128xf32, #tpu.memory_space<hbm>> -> memref<10000x128xf32, #tpu.memory_space<hbm>>
    tpu.enqueue_indirect_dma source(%dma_start3A_47 : memref<10000x128xf32, #tpu.memory_space<hbm>>) target(%arg7 : memref<80x128xf32, #tpu.memory_space<vmem>>) offsets(%dma_start3A_44 : memref<80xi32, #tpu.memory_space<vmem>>) semaphore(%arg10 : memref<!tpu.dma_semaphore, #tpu.memory_space<semaphore_mem>>)
    %scan3A_48 = arith.constant 0 : i32
    %scan3A_49 = arith.constant 0 : i32
    %scan3A_50 = arith.constant 62 : i32
    %scan3A_51 = arith.addi %scan3A_49, %scan3A_50 : i32
    %scan3A_52 = arith.constant 1 : i32
    scf.for %scan3A_63 = %scan3A_49 to %scan3A_51 step %scan3A_52  : i32 {
      %mul3A_64 = arith.constant 2 : i32
      %mul3A_65 = arith.muli %mul3A_64, %scan3A_63 : i32
      %mul3A_66 = arith.constant 2 : i32
      %mul3A_67 = arith.muli %mul3A_66, %scan3A_63 : i32
      %add3A_68 = arith.constant 1 : i32
      %add3A_69 = arith.addi %mul3A_67, %add3A_68 : i32
      %mul3A_70 = arith.constant 80 : i32
      %mul3A_71 = arith.muli %add3A_69, %mul3A_70 : i32
      %dma_start3A_72 = tpu.memref_slice %arg5[%mul3A_71] : memref<10000xi32, #tpu.memory_space<vmem>> -> memref<80xi32, #tpu.memory_space<vmem>>
      %dma_start3A_73 = arith.constant 0 : i32
      %dma_start3A_74 = arith.constant 0 : i32
      %dma_start3A_75 = tpu.memref_slice %arg2[%dma_start3A_73, %dma_start3A_74] : memref<10000x128xf32, #tpu.memory_space<hbm>> -> memref<10000x128xf32, #tpu.memory_space<hbm>>
      tpu.enqueue_indirect_dma source(%dma_start3A_75 : memref<10000x128xf32, #tpu.memory_space<hbm>>) target(%arg8 : memref<80x128xf32, #tpu.memory_space<vmem>>) offsets(%dma_start3A_72 : memref<80xi32, #tpu.memory_space<vmem>>) semaphore(%arg11 : memref<!tpu.dma_semaphore, #tpu.memory_space<semaphore_mem>>)
      %mul3A_76 = arith.constant 80 : i32
      %mul3A_77 = arith.muli %mul3A_65, %mul3A_76 : i32
      %dma_wait3A_78 = tpu.memref_slice %arg5[%mul3A_77] : memref<10000xi32, #tpu.memory_space<vmem>> -> memref<80xi32, #tpu.memory_space<vmem>>
      %dma_wait3A_79 = arith.constant 0 : i32
      %dma_wait3A_80 = arith.constant 0 : i32
      %dma_wait3A_81 = tpu.memref_slice %arg2[%dma_wait3A_79, %dma_wait3A_80] : memref<10000x128xf32, #tpu.memory_space<hbm>> -> memref<10000x128xf32, #tpu.memory_space<hbm>>
      tpu.wait_indirect_dma semaphore(%arg10 : memref<!tpu.dma_semaphore, #tpu.memory_space<semaphore_mem>>) src(%dma_wait3A_81 : memref<10000x128xf32, #tpu.memory_space<hbm>>) dst(%arg7 : memref<80x128xf32, #tpu.memory_space<vmem>>)
      %mul3A_82 = arith.constant 80 : i32
      %mul3A_83 = arith.muli %mul3A_65, %mul3A_82 : i32
      "tpu.region"() ({
        %run_scoped3A = tpu.sem_alloc : memref<!tpu.dma_semaphore, #tpu.memory_space<semaphore_mem>>
        %dma_start3A_100 = tpu.memref_slice %arg6[%mul3A_83] : memref<10000xi32, #tpu.memory_space<vmem>> -> memref<80xi32, #tpu.memory_space<vmem>>
        %dma_start3A_101 = arith.constant 0 : i32
        %dma_start3A_102 = arith.constant 0 : i32
        %dma_start3A_103 = tpu.memref_slice %arg9[%dma_start3A_101, %dma_start3A_102] : memref<10112x128xf32, #tpu.memory_space<vmem_shared>> -> memref<10112x128xf32, #tpu.memory_space<vmem_shared>>
        tpu.enqueue_indirect_dma source(%arg7 : memref<80x128xf32, #tpu.memory_space<vmem>>) target(%dma_start3A_103 : memref<10112x128xf32, #tpu.memory_space<vmem_shared>>) offsets(%dma_start3A_100 : memref<80xi32, #tpu.memory_space<vmem>>) semaphore(%run_scoped3A : memref<!tpu.dma_semaphore, #tpu.memory_space<semaphore_mem>>) {add = true}
        %dma_wait3A_104 = tpu.memref_slice %arg6[%mul3A_83] : memref<10000xi32, #tpu.memory_space<vmem>> -> memref<80xi32, #tpu.memory_space<vmem>>
        %dma_wait3A_105 = arith.constant 0 : i32
        %dma_wait3A_106 = arith.constant 0 : i32
        %dma_wait3A_107 = tpu.memref_slice %arg9[%dma_wait3A_105, %dma_wait3A_106] : memref<10112x128xf32, #tpu.memory_space<vmem_shared>> -> memref<10112x128xf32, #tpu.memory_space<vmem_shared>>
        tpu.wait_indirect_dma semaphore(%run_scoped3A : memref<!tpu.dma_semaphore, #tpu.memory_space<semaphore_mem>>) src(%arg7 : memref<80x128xf32, #tpu.memory_space<vmem>>) dst(%dma_wait3A_107 : memref<10112x128xf32, #tpu.memory_space<vmem_shared>>)
        tpu.yield
      }) : () -> ()
      %add3A_84 = arith.constant 1 : i32
      %add3A_85 = arith.addi %add3A_69, %add3A_84 : i32
      %mul3A_86 = arith.constant 80 : i32
      %mul3A_87 = arith.muli %add3A_85, %mul3A_86 : i32
      %dma_start3A_88 = tpu.memref_slice %arg5[%mul3A_87] : memref<10000xi32, #tpu.memory_space<vmem>> -> memref<80xi32, #tpu.memory_space<vmem>>
      %dma_start3A_89 = arith.constant 0 : i32
      %dma_start3A_90 = arith.constant 0 : i32
      %dma_start3A_91 = tpu.memref_slice %arg2[%dma_start3A_89, %dma_start3A_90] : memref<10000x128xf32, #tpu.memory_space<hbm>> -> memref<10000x128xf32, #tpu.memory_space<hbm>>
      tpu.enqueue_indirect_dma source(%dma_start3A_91 : memref<10000x128xf32, #tpu.memory_space<hbm>>) target(%arg7 : memref<80x128xf32, #tpu.memory_space<vmem>>) offsets(%dma_start3A_88 : memref<80xi32, #tpu.memory_space<vmem>>) semaphore(%arg10 : memref<!tpu.dma_semaphore, #tpu.memory_space<semaphore_mem>>)
      %mul3A_92 = arith.constant 80 : i32
      %mul3A_93 = arith.muli %add3A_69, %mul3A_92 : i32
      %dma_wait3A_94 = tpu.memref_slice %arg5[%mul3A_93] : memref<10000xi32, #tpu.memory_space<vmem>> -> memref<80xi32, #tpu.memory_space<vmem>>
      %dma_wait3A_95 = arith.constant 0 : i32
      %dma_wait3A_96 = arith.constant 0 : i32
      %dma_wait3A_97 = tpu.memref_slice %arg2[%dma_wait3A_95, %dma_wait3A_96] : memref<10000x128xf32, #tpu.memory_space<hbm>> -> memref<10000x128xf32, #tpu.memory_space<hbm>>
      tpu.wait_indirect_dma semaphore(%arg11 : memref<!tpu.dma_semaphore, #tpu.memory_space<semaphore_mem>>) src(%dma_wait3A_97 : memref<10000x128xf32, #tpu.memory_space<hbm>>) dst(%arg8 : memref<80x128xf32, #tpu.memory_space<vmem>>)
      %mul3A_98 = arith.constant 80 : i32
      %mul3A_99 = arith.muli %add3A_69, %mul3A_98 : i32
      "tpu.region"() ({
        %run_scoped3A = tpu.sem_alloc : memref<!tpu.dma_semaphore, #tpu.memory_space<semaphore_mem>>
        %dma_start3A_100 = tpu.memref_slice %arg6[%mul3A_99] : memref<10000xi32, #tpu.memory_space<vmem>> -> memref<80xi32, #tpu.memory_space<vmem>>
        %dma_start3A_101 = arith.constant 0 : i32
        %dma_start3A_102 = arith.constant 0 : i32
        %dma_start3A_103 = tpu.memref_slice %arg9[%dma_start3A_101, %dma_start3A_102] : memref<10112x128xf32, #tpu.memory_space<vmem_shared>> -> memref<10112x128xf32, #tpu.memory_space<vmem_shared>>
        tpu.enqueue_indirect_dma source(%arg8 : memref<80x128xf32, #tpu.memory_space<vmem>>) target(%dma_start3A_103 : memref<10112x128xf32, #tpu.memory_space<vmem_shared>>) offsets(%dma_start3A_100 : memref<80xi32, #tpu.memory_space<vmem>>) semaphore(%run_scoped3A : memref<!tpu.dma_semaphore, #tpu.memory_space<semaphore_mem>>) {add = true}
        %dma_wait3A_104 = tpu.memref_slice %arg6[%mul3A_99] : memref<10000xi32, #tpu.memory_space<vmem>> -> memref<80xi32, #tpu.memory_space<vmem>>
        %dma_wait3A_105 = arith.constant 0 : i32
        %dma_wait3A_106 = arith.constant 0 : i32
        %dma_wait3A_107 = tpu.memref_slice %arg9[%dma_wait3A_105, %dma_wait3A_106] : memref<10112x128xf32, #tpu.memory_space<vmem_shared>> -> memref<10112x128xf32, #tpu.memory_space<vmem_shared>>
        tpu.wait_indirect_dma semaphore(%run_scoped3A : memref<!tpu.dma_semaphore, #tpu.memory_space<semaphore_mem>>) src(%arg8 : memref<80x128xf32, #tpu.memory_space<vmem>>) dst(%dma_wait3A_107 : memref<10112x128xf32, #tpu.memory_space<vmem_shared>>)
        tpu.yield
      }) : () -> ()
    }
    %scan3A_53 = arith.constant 62 : i32
    %dma_wait3A = arith.constant 9920 : i32
    %dma_wait3A_54 = tpu.memref_slice %arg5[%dma_wait3A] : memref<10000xi32, #tpu.memory_space<vmem>> -> memref<80xi32, #tpu.memory_space<vmem>>
    %dma_wait3A_55 = arith.constant 0 : i32
    %dma_wait3A_56 = arith.constant 0 : i32
    %dma_wait3A_57 = tpu.memref_slice %arg2[%dma_wait3A_55, %dma_wait3A_56] : memref<10000x128xf32, #tpu.memory_space<hbm>> -> memref<10000x128xf32, #tpu.memory_space<hbm>>
    tpu.wait_indirect_dma semaphore(%arg10 : memref<!tpu.dma_semaphore, #tpu.memory_space<semaphore_mem>>) src(%dma_wait3A_57 : memref<10000x128xf32, #tpu.memory_space<hbm>>) dst(%arg7 : memref<80x128xf32, #tpu.memory_space<vmem>>)
    "tpu.region"() ({
      %run_scoped3A = tpu.sem_alloc : memref<!tpu.dma_semaphore, #tpu.memory_space<semaphore_mem>>
      %dma_start3A_63 = arith.constant 9920 : i32
      %dma_start3A_64 = tpu.memref_slice %arg6[%dma_start3A_63] : memref<10000xi32, #tpu.memory_space<vmem>> -> memref<80xi32, #tpu.memory_space<vmem>>
      %dma_start3A_65 = arith.constant 0 : i32
      %dma_start3A_66 = arith.constant 0 : i32
      %dma_start3A_67 = tpu.memref_slice %arg9[%dma_start3A_65, %dma_start3A_66] : memref<10112x128xf32, #tpu.memory_space<vmem_shared>> -> memref<10112x128xf32, #tpu.memory_space<vmem_shared>>
      tpu.enqueue_indirect_dma source(%arg7 : memref<80x128xf32, #tpu.memory_space<vmem>>) target(%dma_start3A_67 : memref<10112x128xf32, #tpu.memory_space<vmem_shared>>) offsets(%dma_start3A_64 : memref<80xi32, #tpu.memory_space<vmem>>) semaphore(%run_scoped3A : memref<!tpu.dma_semaphore, #tpu.memory_space<semaphore_mem>>) {add = true}
      %dma_wait3A_68 = arith.constant 9920 : i32
      %dma_wait3A_69 = tpu.memref_slice %arg6[%dma_wait3A_68] : memref<10000xi32, #tpu.memory_space<vmem>> -> memref<80xi32, #tpu.memory_space<vmem>>
      %dma_wait3A_70 = arith.constant 0 : i32
      %dma_wait3A_71 = arith.constant 0 : i32
      %dma_wait3A_72 = tpu.memref_slice %arg9[%dma_wait3A_70, %dma_wait3A_71] : memref<10112x128xf32, #tpu.memory_space<vmem_shared>> -> memref<10112x128xf32, #tpu.memory_space<vmem_shared>>
      tpu.wait_indirect_dma semaphore(%run_scoped3A : memref<!tpu.dma_semaphore, #tpu.memory_space<semaphore_mem>>) src(%arg7 : memref<80x128xf32, #tpu.memory_space<vmem>>) dst(%dma_wait3A_72 : memref<10112x128xf32, #tpu.memory_space<vmem_shared>>)
      tpu.yield
    }) : () -> ()
    %barrier3A_58 = arith.constant 0 : index
    tpu.barrier barrier_id(%barrier3A_58)
    %mul3A_59 = arith.constant 632 : i32
    %mul3A_60 = arith.muli %arg1, %mul3A_59 : i32
    %mul3A_61 = arith.constant 632 : i32
    %mul3A_62 = arith.muli %arg1, %mul3A_61 : i32
    "tpu.region"() ({
      %run_scoped3A = tpu.sem_alloc : memref<!tpu.dma_semaphore, #tpu.memory_space<semaphore_mem>>
      %dma_start3A_63 = arith.constant 0 : i32
      %dma_start3A_64 = tpu.memref_slice %arg4[%arg0, %mul3A_62, %dma_start3A_63] : memref<2x10112x128xf32, #tpu.memory_space<hbm>> -> memref<1x632x128xf32, #tpu.memory_space<hbm>>
      %dma_start3A_65 = tpu.memref_squeeze %dma_start3A_64 : memref<1x632x128xf32, #tpu.memory_space<hbm>> -> memref<632x128xf32, #tpu.memory_space<hbm>>
      %dma_start3A_66 = arith.constant 0 : i32
      %dma_start3A_67 = tpu.memref_slice %arg9[%mul3A_60, %dma_start3A_66] : memref<10112x128xf32, #tpu.memory_space<vmem_shared>> -> memref<632x128xf32, #tpu.memory_space<vmem_shared>>
      tpu.enqueue_dma source(%dma_start3A_67 : memref<632x128xf32, #tpu.memory_space<vmem_shared>>) target(%dma_start3A_65 : memref<632x128xf32, #tpu.memory_space<hbm>>) target_semaphore(%run_scoped3A : memref<!tpu.dma_semaphore, #tpu.memory_space<semaphore_mem>>)
      %dma_wait3A_68 = arith.constant 0 : i32
      %dma_wait3A_69 = tpu.memref_slice %arg4[%arg0, %mul3A_62, %dma_wait3A_68] : memref<2x10112x128xf32, #tpu.memory_space<hbm>> -> memref<1x632x128xf32, #tpu.memory_space<hbm>>
      %dma_wait3A_70 = tpu.memref_squeeze %dma_wait3A_69 : memref<1x632x128xf32, #tpu.memory_space<hbm>> -> memref<632x128xf32, #tpu.memory_space<hbm>>
      %dma_wait3A_71 = arith.constant 0 : i32
      %dma_wait3A_72 = tpu.memref_slice %arg9[%mul3A_60, %dma_wait3A_71] : memref<10112x128xf32, #tpu.memory_space<vmem_shared>> -> memref<632x128xf32, #tpu.memory_space<vmem_shared>>
      tpu.wait_dma2 semaphore(%run_scoped3A : memref<!tpu.dma_semaphore, #tpu.memory_space<semaphore_mem>>) src(%dma_wait3A_72 : memref<632x128xf32, #tpu.memory_space<vmem_shared>>) dst(%dma_wait3A_70 : memref<632x128xf32, #tpu.memory_space<hbm>>)
      tpu.yield
    }) : () -> ()
    return
  }
}

#map = affine_map<(d0, d1) -> (0)>
module attributes {stable_mosaic.version = 14 : i64} {
  func.func @_deg_body(%arg0: i32, %arg1: i32, %arg2: memref<640000xi32, #tpu.memory_space<hbm>>, %arg3: memref<20224xf32, #tpu.memory_space<hbm>>, %arg4: memref<80xf32, #tpu.memory_space<vmem>>, %arg5: memref<632xf32, #tpu.memory_space<vmem>>, %arg6: memref<10000xi32, #tpu.memory_space<vmem>>, %arg7: memref<10112xf32, #tpu.memory_space<vmem_shared>>, %arg8: memref<!tpu.dma_semaphore, #tpu.memory_space<semaphore_mem>>, %arg9: memref<!tpu.dma_semaphore, #tpu.memory_space<semaphore_mem>>, %arg10: memref<!tpu.dma_semaphore, #tpu.memory_space<semaphore_mem>>, %arg11: memref<!tpu.dma_semaphore, #tpu.memory_space<semaphore_mem>>) attributes {dimension_semantics = [#tpu.dimension_semantics<core_parallel>, #tpu.dimension_semantics<subcore_parallel>], iteration_bounds = array<i64: 2, 16>, scalar_prefetch = 0 : i64, scratch_operands = 8 : i64, tpu.core_type = #tpu.core_type<sc_vector_subcore>, window_params = [{transform_indices = #map}, {transform_indices = #map}]} {
    %mul3A = arith.constant 16 : i32
    %mul3A_0 = arith.muli %arg0, %mul3A : i32
    %add3A = arith.addi %mul3A_0, %arg1 : i32
    %broadcast_in_dim3A = arith.constant 0.000000e+00 : f32
    %broadcast_in_dim3A_1 = vector.broadcast %broadcast_in_dim3A : f32 to vector<16xf32>
    %swap3A = arith.constant 0 : index
    %swap3A_2 = tpu.vector_load %arg4[%swap3A] {strides = array<i32>} : memref<80xf32, #tpu.memory_space<vmem>>, vector<16xf32>,
    %swap3A_3 = vector.shape_cast %swap3A_2 : vector<16xf32> to vector<16xf32>
    %swap3A_4 = vector.shape_cast %broadcast_in_dim3A_1 : vector<16xf32> to vector<16xf32>
    tpu.vector_store %arg4[%swap3A], %swap3A_4 {strides = array<i32>} : memref<80xf32, #tpu.memory_space<vmem>>, vector<16xf32>,
    %broadcast_in_dim3A_5 = arith.constant 0.000000e+00 : f32
    %broadcast_in_dim3A_6 = vector.broadcast %broadcast_in_dim3A_5 : f32 to vector<16xf32>
    %swap3A_7 = arith.constant 16 : index
    %swap3A_8 = tpu.vector_load %arg4[%swap3A_7] {strides = array<i32>} : memref<80xf32, #tpu.memory_space<vmem>>, vector<16xf32>,
    %swap3A_9 = vector.shape_cast %swap3A_8 : vector<16xf32> to vector<16xf32>
    %swap3A_10 = vector.shape_cast %broadcast_in_dim3A_6 : vector<16xf32> to vector<16xf32>
    tpu.vector_store %arg4[%swap3A_7], %swap3A_10 {strides = array<i32>} : memref<80xf32, #tpu.memory_space<vmem>>, vector<16xf32>,
    %broadcast_in_dim3A_11 = arith.constant 0.000000e+00 : f32
    %broadcast_in_dim3A_12 = vector.broadcast %broadcast_in_dim3A_11 : f32 to vector<16xf32>
    %swap3A_13 = arith.constant 32 : index
    %swap3A_14 = tpu.vector_load %arg4[%swap3A_13] {strides = array<i32>} : memref<80xf32, #tpu.memory_space<vmem>>, vector<16xf32>,
    %swap3A_15 = vector.shape_cast %swap3A_14 : vector<16xf32> to vector<16xf32>
    %swap3A_16 = vector.shape_cast %broadcast_in_dim3A_12 : vector<16xf32> to vector<16xf32>
    tpu.vector_store %arg4[%swap3A_13], %swap3A_16 {strides = array<i32>} : memref<80xf32, #tpu.memory_space<vmem>>, vector<16xf32>,
    %broadcast_in_dim3A_17 = arith.constant 0.000000e+00 : f32
    %broadcast_in_dim3A_18 = vector.broadcast %broadcast_in_dim3A_17 : f32 to vector<16xf32>
    %swap3A_19 = arith.constant 48 : index
    %swap3A_20 = tpu.vector_load %arg4[%swap3A_19] {strides = array<i32>} : memref<80xf32, #tpu.memory_space<vmem>>, vector<16xf32>,
    %swap3A_21 = vector.shape_cast %swap3A_20 : vector<16xf32> to vector<16xf32>
    %swap3A_22 = vector.shape_cast %broadcast_in_dim3A_18 : vector<16xf32> to vector<16xf32>
    tpu.vector_store %arg4[%swap3A_19], %swap3A_22 {strides = array<i32>} : memref<80xf32, #tpu.memory_space<vmem>>, vector<16xf32>,
    %broadcast_in_dim3A_23 = arith.constant 0.000000e+00 : f32
    %broadcast_in_dim3A_24 = vector.broadcast %broadcast_in_dim3A_23 : f32 to vector<16xf32>
    %swap3A_25 = arith.constant 64 : index
    %swap3A_26 = tpu.vector_load %arg4[%swap3A_25] {strides = array<i32>} : memref<80xf32, #tpu.memory_space<vmem>>, vector<16xf32>,
    %swap3A_27 = vector.shape_cast %swap3A_26 : vector<16xf32> to vector<16xf32>
    %swap3A_28 = vector.shape_cast %broadcast_in_dim3A_24 : vector<16xf32> to vector<16xf32>
    tpu.vector_store %arg4[%swap3A_25], %swap3A_28 {strides = array<i32>} : memref<80xf32, #tpu.memory_space<vmem>>, vector<16xf32>,
    %mul3A_29 = arith.constant 632 : i32
    %mul3A_30 = arith.muli %arg1, %mul3A_29 : i32
    %add3A_31 = arith.constant 0 : i32
    %add3A_32 = arith.addi %mul3A_30, %add3A_31 : i32
    "tpu.region"() ({
      %run_scoped3A = tpu.sem_alloc : memref<!tpu.dma_semaphore, #tpu.memory_space<semaphore_mem>>
      %dma_start3A_126 = tpu.memref_slice %arg7[%add3A_32] : memref<10112xf32, #tpu.memory_space<vmem_shared>> -> memref<80xf32, #tpu.memory_space<vmem_shared>>
      %dma_start3A_127 = tpu.memref_slice %arg7[%add3A_32] : memref<10112xf32, #tpu.memory_space<vmem_shared>> -> memref<80xf32, #tpu.memory_space<vmem_shared>>
      tpu.enqueue_dma source(%arg4 : memref<80xf32, #tpu.memory_space<vmem>>) target(%dma_start3A_127 : memref<80xf32, #tpu.memory_space<vmem_shared>>) target_semaphore(%run_scoped3A : memref<!tpu.dma_semaphore, #tpu.memory_space<semaphore_mem>>)
      %dma_wait3A_128 = tpu.memref_slice %arg7[%add3A_32] : memref<10112xf32, #tpu.memory_space<vmem_shared>> -> memref<80xf32, #tpu.memory_space<vmem_shared>>
      %dma_wait3A_129 = tpu.memref_slice %arg7[%add3A_32] : memref<10112xf32, #tpu.memory_space<vmem_shared>> -> memref<80xf32, #tpu.memory_space<vmem_shared>>
      tpu.wait_dma2 semaphore(%run_scoped3A : memref<!tpu.dma_semaphore, #tpu.memory_space<semaphore_mem>>) src(%arg4 : memref<80xf32, #tpu.memory_space<vmem>>) dst(%dma_wait3A_129 : memref<80xf32, #tpu.memory_space<vmem_shared>>)
      tpu.yield
    }) : () -> ()
    %mul3A_33 = arith.constant 632 : i32
    %mul3A_34 = arith.muli %arg1, %mul3A_33 : i32
    %add3A_35 = arith.constant 80 : i32
    %add3A_36 = arith.addi %mul3A_34, %add3A_35 : i32
    "tpu.region"() ({
      %run_scoped3A = tpu.sem_alloc : memref<!tpu.dma_semaphore, #tpu.memory_space<semaphore_mem>>
      %dma_start3A_126 = tpu.memref_slice %arg7[%add3A_36] : memref<10112xf32, #tpu.memory_space<vmem_shared>> -> memref<80xf32, #tpu.memory_space<vmem_shared>>
      %dma_start3A_127 = tpu.memref_slice %arg7[%add3A_36] : memref<10112xf32, #tpu.memory_space<vmem_shared>> -> memref<80xf32, #tpu.memory_space<vmem_shared>>
      tpu.enqueue_dma source(%arg4 : memref<80xf32, #tpu.memory_space<vmem>>) target(%dma_start3A_127 : memref<80xf32, #tpu.memory_space<vmem_shared>>) target_semaphore(%run_scoped3A : memref<!tpu.dma_semaphore, #tpu.memory_space<semaphore_mem>>)
      %dma_wait3A_128 = tpu.memref_slice %arg7[%add3A_36] : memref<10112xf32, #tpu.memory_space<vmem_shared>> -> memref<80xf32, #tpu.memory_space<vmem_shared>>
      %dma_wait3A_129 = tpu.memref_slice %arg7[%add3A_36] : memref<10112xf32, #tpu.memory_space<vmem_shared>> -> memref<80xf32, #tpu.memory_space<vmem_shared>>
      tpu.wait_dma2 semaphore(%run_scoped3A : memref<!tpu.dma_semaphore, #tpu.memory_space<semaphore_mem>>) src(%arg4 : memref<80xf32, #tpu.memory_space<vmem>>) dst(%dma_wait3A_129 : memref<80xf32, #tpu.memory_space<vmem_shared>>)
      tpu.yield
    }) : () -> ()
    %mul3A_37 = arith.constant 632 : i32
    %mul3A_38 = arith.muli %arg1, %mul3A_37 : i32
    %add3A_39 = arith.constant 160 : i32
    %add3A_40 = arith.addi %mul3A_38, %add3A_39 : i32
    "tpu.region"() ({
      %run_scoped3A = tpu.sem_alloc : memref<!tpu.dma_semaphore, #tpu.memory_space<semaphore_mem>>
      %dma_start3A_126 = tpu.memref_slice %arg7[%add3A_40] : memref<10112xf32, #tpu.memory_space<vmem_shared>> -> memref<80xf32, #tpu.memory_space<vmem_shared>>
      %dma_start3A_127 = tpu.memref_slice %arg7[%add3A_40] : memref<10112xf32, #tpu.memory_space<vmem_shared>> -> memref<80xf32, #tpu.memory_space<vmem_shared>>
      tpu.enqueue_dma source(%arg4 : memref<80xf32, #tpu.memory_space<vmem>>) target(%dma_start3A_127 : memref<80xf32, #tpu.memory_space<vmem_shared>>) target_semaphore(%run_scoped3A : memref<!tpu.dma_semaphore, #tpu.memory_space<semaphore_mem>>)
      %dma_wait3A_128 = tpu.memref_slice %arg7[%add3A_40] : memref<10112xf32, #tpu.memory_space<vmem_shared>> -> memref<80xf32, #tpu.memory_space<vmem_shared>>
      %dma_wait3A_129 = tpu.memref_slice %arg7[%add3A_40] : memref<10112xf32, #tpu.memory_space<vmem_shared>> -> memref<80xf32, #tpu.memory_space<vmem_shared>>
      tpu.wait_dma2 semaphore(%run_scoped3A : memref<!tpu.dma_semaphore, #tpu.memory_space<semaphore_mem>>) src(%arg4 : memref<80xf32, #tpu.memory_space<vmem>>) dst(%dma_wait3A_129 : memref<80xf32, #tpu.memory_space<vmem_shared>>)
      tpu.yield
    }) : () -> ()
    %mul3A_41 = arith.constant 632 : i32
    %mul3A_42 = arith.muli %arg1, %mul3A_41 : i32
    %add3A_43 = arith.constant 240 : i32
    %add3A_44 = arith.addi %mul3A_42, %add3A_43 : i32
    "tpu.region"() ({
      %run_scoped3A = tpu.sem_alloc : memref<!tpu.dma_semaphore, #tpu.memory_space<semaphore_mem>>
      %dma_start3A_126 = tpu.memref_slice %arg7[%add3A_44] : memref<10112xf32, #tpu.memory_space<vmem_shared>> -> memref<80xf32, #tpu.memory_space<vmem_shared>>
      %dma_start3A_127 = tpu.memref_slice %arg7[%add3A_44] : memref<10112xf32, #tpu.memory_space<vmem_shared>> -> memref<80xf32, #tpu.memory_space<vmem_shared>>
      tpu.enqueue_dma source(%arg4 : memref<80xf32, #tpu.memory_space<vmem>>) target(%dma_start3A_127 : memref<80xf32, #tpu.memory_space<vmem_shared>>) target_semaphore(%run_scoped3A : memref<!tpu.dma_semaphore, #tpu.memory_space<semaphore_mem>>)
      %dma_wait3A_128 = tpu.memref_slice %arg7[%add3A_44] : memref<10112xf32, #tpu.memory_space<vmem_shared>> -> memref<80xf32, #tpu.memory_space<vmem_shared>>
      %dma_wait3A_129 = tpu.memref_slice %arg7[%add3A_44] : memref<10112xf32, #tpu.memory_space<vmem_shared>> -> memref<80xf32, #tpu.memory_space<vmem_shared>>
      tpu.wait_dma2 semaphore(%run_scoped3A : memref<!tpu.dma_semaphore, #tpu.memory_space<semaphore_mem>>) src(%arg4 : memref<80xf32, #tpu.memory_space<vmem>>) dst(%dma_wait3A_129 : memref<80xf32, #tpu.memory_space<vmem_shared>>)
      tpu.yield
    }) : () -> ()
    %mul3A_45 = arith.constant 632 : i32
    %mul3A_46 = arith.muli %arg1, %mul3A_45 : i32
    %add3A_47 = arith.constant 320 : i32
    %add3A_48 = arith.addi %mul3A_46, %add3A_47 : i32
    "tpu.region"() ({
      %run_scoped3A = tpu.sem_alloc : memref<!tpu.dma_semaphore, #tpu.memory_space<semaphore_mem>>
      %dma_start3A_126 = tpu.memref_slice %arg7[%add3A_48] : memref<10112xf32, #tpu.memory_space<vmem_shared>> -> memref<80xf32, #tpu.memory_space<vmem_shared>>
      %dma_start3A_127 = tpu.memref_slice %arg7[%add3A_48] : memref<10112xf32, #tpu.memory_space<vmem_shared>> -> memref<80xf32, #tpu.memory_space<vmem_shared>>
      tpu.enqueue_dma source(%arg4 : memref<80xf32, #tpu.memory_space<vmem>>) target(%dma_start3A_127 : memref<80xf32, #tpu.memory_space<vmem_shared>>) target_semaphore(%run_scoped3A : memref<!tpu.dma_semaphore, #tpu.memory_space<semaphore_mem>>)
      %dma_wait3A_128 = tpu.memref_slice %arg7[%add3A_48] : memref<10112xf32, #tpu.memory_space<vmem_shared>> -> memref<80xf32, #tpu.memory_space<vmem_shared>>
      %dma_wait3A_129 = tpu.memref_slice %arg7[%add3A_48] : memref<10112xf32, #tpu.memory_space<vmem_shared>> -> memref<80xf32, #tpu.memory_space<vmem_shared>>
      tpu.wait_dma2 semaphore(%run_scoped3A : memref<!tpu.dma_semaphore, #tpu.memory_space<semaphore_mem>>) src(%arg4 : memref<80xf32, #tpu.memory_space<vmem>>) dst(%dma_wait3A_129 : memref<80xf32, #tpu.memory_space<vmem_shared>>)
      tpu.yield
    }) : () -> ()
    %mul3A_49 = arith.constant 632 : i32
    %mul3A_50 = arith.muli %arg1, %mul3A_49 : i32
    %add3A_51 = arith.constant 400 : i32
    %add3A_52 = arith.addi %mul3A_50, %add3A_51 : i32
    "tpu.region"() ({
      %run_scoped3A = tpu.sem_alloc : memref<!tpu.dma_semaphore, #tpu.memory_space<semaphore_mem>>
      %dma_start3A_126 = tpu.memref_slice %arg7[%add3A_52] : memref<10112xf32, #tpu.memory_space<vmem_shared>> -> memref<80xf32, #tpu.memory_space<vmem_shared>>
      %dma_start3A_127 = tpu.memref_slice %arg7[%add3A_52] : memref<10112xf32, #tpu.memory_space<vmem_shared>> -> memref<80xf32, #tpu.memory_space<vmem_shared>>
      tpu.enqueue_dma source(%arg4 : memref<80xf32, #tpu.memory_space<vmem>>) target(%dma_start3A_127 : memref<80xf32, #tpu.memory_space<vmem_shared>>) target_semaphore(%run_scoped3A : memref<!tpu.dma_semaphore, #tpu.memory_space<semaphore_mem>>)
      %dma_wait3A_128 = tpu.memref_slice %arg7[%add3A_52] : memref<10112xf32, #tpu.memory_space<vmem_shared>> -> memref<80xf32, #tpu.memory_space<vmem_shared>>
      %dma_wait3A_129 = tpu.memref_slice %arg7[%add3A_52] : memref<10112xf32, #tpu.memory_space<vmem_shared>> -> memref<80xf32, #tpu.memory_space<vmem_shared>>
      tpu.wait_dma2 semaphore(%run_scoped3A : memref<!tpu.dma_semaphore, #tpu.memory_space<semaphore_mem>>) src(%arg4 : memref<80xf32, #tpu.memory_space<vmem>>) dst(%dma_wait3A_129 : memref<80xf32, #tpu.memory_space<vmem_shared>>)
      tpu.yield
    }) : () -> ()
    %mul3A_53 = arith.constant 632 : i32
    %mul3A_54 = arith.muli %arg1, %mul3A_53 : i32
    %add3A_55 = arith.constant 480 : i32
    %add3A_56 = arith.addi %mul3A_54, %add3A_55 : i32
    "tpu.region"() ({
      %run_scoped3A = tpu.sem_alloc : memref<!tpu.dma_semaphore, #tpu.memory_space<semaphore_mem>>
      %dma_start3A_126 = tpu.memref_slice %arg7[%add3A_56] : memref<10112xf32, #tpu.memory_space<vmem_shared>> -> memref<80xf32, #tpu.memory_space<vmem_shared>>
      %dma_start3A_127 = tpu.memref_slice %arg7[%add3A_56] : memref<10112xf32, #tpu.memory_space<vmem_shared>> -> memref<80xf32, #tpu.memory_space<vmem_shared>>
      tpu.enqueue_dma source(%arg4 : memref<80xf32, #tpu.memory_space<vmem>>) target(%dma_start3A_127 : memref<80xf32, #tpu.memory_space<vmem_shared>>) target_semaphore(%run_scoped3A : memref<!tpu.dma_semaphore, #tpu.memory_space<semaphore_mem>>)
      %dma_wait3A_128 = tpu.memref_slice %arg7[%add3A_56] : memref<10112xf32, #tpu.memory_space<vmem_shared>> -> memref<80xf32, #tpu.memory_space<vmem_shared>>
      %dma_wait3A_129 = tpu.memref_slice %arg7[%add3A_56] : memref<10112xf32, #tpu.memory_space<vmem_shared>> -> memref<80xf32, #tpu.memory_space<vmem_shared>>
      tpu.wait_dma2 semaphore(%run_scoped3A : memref<!tpu.dma_semaphore, #tpu.memory_space<semaphore_mem>>) src(%arg4 : memref<80xf32, #tpu.memory_space<vmem>>) dst(%dma_wait3A_129 : memref<80xf32, #tpu.memory_space<vmem_shared>>)
      tpu.yield
    }) : () -> ()
    %mul3A_57 = arith.constant 632 : i32
    %mul3A_58 = arith.muli %arg1, %mul3A_57 : i32
    %add3A_59 = arith.constant 560 : i32
    %add3A_60 = arith.addi %mul3A_58, %add3A_59 : i32
    "tpu.region"() ({
      %run_scoped3A = tpu.sem_alloc : memref<!tpu.dma_semaphore, #tpu.memory_space<semaphore_mem>>
      %dma_start3A_126 = arith.constant 0 : i32
      %dma_start3A_127 = tpu.memref_slice %arg4[%dma_start3A_126] : memref<80xf32, #tpu.memory_space<vmem>> -> memref<72xf32, #tpu.memory_space<vmem>>
      %dma_start3A_128 = tpu.memref_slice %arg7[%add3A_60] : memref<10112xf32, #tpu.memory_space<vmem_shared>> -> memref<72xf32, #tpu.memory_space<vmem_shared>>
      %dma_start3A_129 = tpu.memref_slice %arg7[%add3A_60] : memref<10112xf32, #tpu.memory_space<vmem_shared>> -> memref<72xf32, #tpu.memory_space<vmem_shared>>
      %dma_start3A_130 = arith.constant 0 : i32
      %dma_start3A_131 = tpu.memref_slice %arg4[%dma_start3A_130] : memref<80xf32, #tpu.memory_space<vmem>> -> memref<72xf32, #tpu.memory_space<vmem>>
      tpu.enqueue_dma source(%dma_start3A_131 : memref<72xf32, #tpu.memory_space<vmem>>) target(%dma_start3A_129 : memref<72xf32, #tpu.memory_space<vmem_shared>>) target_semaphore(%run_scoped3A : memref<!tpu.dma_semaphore, #tpu.memory_space<semaphore_mem>>)
      %dma_wait3A_132 = arith.constant 0 : i32
      %dma_wait3A_133 = tpu.memref_slice %arg4[%dma_wait3A_132] : memref<80xf32, #tpu.memory_space<vmem>> -> memref<72xf32, #tpu.memory_space<vmem>>
      %dma_wait3A_134 = tpu.memref_slice %arg7[%add3A_60] : memref<10112xf32, #tpu.memory_space<vmem_shared>> -> memref<72xf32, #tpu.memory_space<vmem_shared>>
      %dma_wait3A_135 = tpu.memref_slice %arg7[%add3A_60] : memref<10112xf32, #tpu.memory_space<vmem_shared>> -> memref<72xf32, #tpu.memory_space<vmem_shared>>
      %dma_wait3A_136 = arith.constant 0 : i32
      %dma_wait3A_137 = tpu.memref_slice %arg4[%dma_wait3A_136] : memref<80xf32, #tpu.memory_space<vmem>> -> memref<72xf32, #tpu.memory_space<vmem>>
      tpu.wait_dma2 semaphore(%run_scoped3A : memref<!tpu.dma_semaphore, #tpu.memory_space<semaphore_mem>>) src(%dma_wait3A_137 : memref<72xf32, #tpu.memory_space<vmem>>) dst(%dma_wait3A_135 : memref<72xf32, #tpu.memory_space<vmem_shared>>)
      tpu.yield
    }) : () -> ()
    %broadcast_in_dim3A_61 = arith.constant 1.000000e+00 : f32
    %broadcast_in_dim3A_62 = vector.broadcast %broadcast_in_dim3A_61 : f32 to vector<16xf32>
    %swap3A_63 = arith.constant 0 : index
    %swap3A_64 = tpu.vector_load %arg4[%swap3A_63] {strides = array<i32>} : memref<80xf32, #tpu.memory_space<vmem>>, vector<16xf32>,
    %swap3A_65 = vector.shape_cast %swap3A_64 : vector<16xf32> to vector<16xf32>
    %swap3A_66 = vector.shape_cast %broadcast_in_dim3A_62 : vector<16xf32> to vector<16xf32>
    tpu.vector_store %arg4[%swap3A_63], %swap3A_66 {strides = array<i32>} : memref<80xf32, #tpu.memory_space<vmem>>, vector<16xf32>,
    %broadcast_in_dim3A_67 = arith.constant 1.000000e+00 : f32
    %broadcast_in_dim3A_68 = vector.broadcast %broadcast_in_dim3A_67 : f32 to vector<16xf32>
    %swap3A_69 = arith.constant 16 : index
    %swap3A_70 = tpu.vector_load %arg4[%swap3A_69] {strides = array<i32>} : memref<80xf32, #tpu.memory_space<vmem>>, vector<16xf32>,
    %swap3A_71 = vector.shape_cast %swap3A_70 : vector<16xf32> to vector<16xf32>
    %swap3A_72 = vector.shape_cast %broadcast_in_dim3A_68 : vector<16xf32> to vector<16xf32>
    tpu.vector_store %arg4[%swap3A_69], %swap3A_72 {strides = array<i32>} : memref<80xf32, #tpu.memory_space<vmem>>, vector<16xf32>,
    %broadcast_in_dim3A_73 = arith.constant 1.000000e+00 : f32
    %broadcast_in_dim3A_74 = vector.broadcast %broadcast_in_dim3A_73 : f32 to vector<16xf32>
    %swap3A_75 = arith.constant 32 : index
    %swap3A_76 = tpu.vector_load %arg4[%swap3A_75] {strides = array<i32>} : memref<80xf32, #tpu.memory_space<vmem>>, vector<16xf32>,
    %swap3A_77 = vector.shape_cast %swap3A_76 : vector<16xf32> to vector<16xf32>
    %swap3A_78 = vector.shape_cast %broadcast_in_dim3A_74 : vector<16xf32> to vector<16xf32>
    tpu.vector_store %arg4[%swap3A_75], %swap3A_78 {strides = array<i32>} : memref<80xf32, #tpu.memory_space<vmem>>, vector<16xf32>,
    %broadcast_in_dim3A_79 = arith.constant 1.000000e+00 : f32
    %broadcast_in_dim3A_80 = vector.broadcast %broadcast_in_dim3A_79 : f32 to vector<16xf32>
    %swap3A_81 = arith.constant 48 : index
    %swap3A_82 = tpu.vector_load %arg4[%swap3A_81] {strides = array<i32>} : memref<80xf32, #tpu.memory_space<vmem>>, vector<16xf32>,
    %swap3A_83 = vector.shape_cast %swap3A_82 : vector<16xf32> to vector<16xf32>
    %swap3A_84 = vector.shape_cast %broadcast_in_dim3A_80 : vector<16xf32> to vector<16xf32>
    tpu.vector_store %arg4[%swap3A_81], %swap3A_84 {strides = array<i32>} : memref<80xf32, #tpu.memory_space<vmem>>, vector<16xf32>,
    %broadcast_in_dim3A_85 = arith.constant 1.000000e+00 : f32
    %broadcast_in_dim3A_86 = vector.broadcast %broadcast_in_dim3A_85 : f32 to vector<16xf32>
    %swap3A_87 = arith.constant 64 : index
    %swap3A_88 = tpu.vector_load %arg4[%swap3A_87] {strides = array<i32>} : memref<80xf32, #tpu.memory_space<vmem>>, vector<16xf32>,
    %swap3A_89 = vector.shape_cast %swap3A_88 : vector<16xf32> to vector<16xf32>
    %swap3A_90 = vector.shape_cast %broadcast_in_dim3A_86 : vector<16xf32> to vector<16xf32>
    tpu.vector_store %arg4[%swap3A_87], %swap3A_90 {strides = array<i32>} : memref<80xf32, #tpu.memory_space<vmem>>, vector<16xf32>,
    %barrier3A = arith.constant 0 : index
    tpu.barrier barrier_id(%barrier3A)
    %mul3A_91 = arith.constant 10000 : i32
    %mul3A_92 = arith.muli %add3A, %mul3A_91 : i32
    %add3A_93 = arith.constant 320000 : i32
    %add3A_94 = arith.addi %add3A_93, %mul3A_92 : i32
    "tpu.region"() ({
      %run_scoped3A = tpu.sem_alloc : memref<!tpu.dma_semaphore, #tpu.memory_space<semaphore_mem>>
      %dma_start3A_126 = tpu.memref_slice %arg2[%add3A_94] : memref<640000xi32, #tpu.memory_space<hbm>> -> memref<10000xi32, #tpu.memory_space<hbm>>
      %dma_start3A_127 = tpu.memref_slice %arg2[%add3A_94] : memref<640000xi32, #tpu.memory_space<hbm>> -> memref<10000xi32, #tpu.memory_space<hbm>>
      tpu.enqueue_dma source(%dma_start3A_127 : memref<10000xi32, #tpu.memory_space<hbm>>) target(%arg6 : memref<10000xi32, #tpu.memory_space<vmem>>) target_semaphore(%run_scoped3A : memref<!tpu.dma_semaphore, #tpu.memory_space<semaphore_mem>>)
      %dma_wait3A_128 = tpu.memref_slice %arg2[%add3A_94] : memref<640000xi32, #tpu.memory_space<hbm>> -> memref<10000xi32, #tpu.memory_space<hbm>>
      %dma_wait3A_129 = tpu.memref_slice %arg2[%add3A_94] : memref<640000xi32, #tpu.memory_space<hbm>> -> memref<10000xi32, #tpu.memory_space<hbm>>
      tpu.wait_dma2 semaphore(%run_scoped3A : memref<!tpu.dma_semaphore, #tpu.memory_space<semaphore_mem>>) src(%dma_wait3A_129 : memref<10000xi32, #tpu.memory_space<hbm>>) dst(%arg6 : memref<10000xi32, #tpu.memory_space<vmem>>)
      tpu.yield
    }) : () -> ()
    %dma_start3A = arith.constant 0 : i32
    %dma_start3A_95 = tpu.memref_slice %arg6[%dma_start3A] : memref<10000xi32, #tpu.memory_space<vmem>> -> memref<80xi32, #tpu.memory_space<vmem>>
    %dma_start3A_96 = arith.constant 0 : i32
    %dma_start3A_97 = tpu.memref_slice %arg7[%dma_start3A_96] : memref<10112xf32, #tpu.memory_space<vmem_shared>> -> memref<10112xf32, #tpu.memory_space<vmem_shared>>
    tpu.enqueue_indirect_dma source(%arg4 : memref<80xf32, #tpu.memory_space<vmem>>) target(%dma_start3A_97 : memref<10112xf32, #tpu.memory_space<vmem_shared>>) offsets(%dma_start3A_95 : memref<80xi32, #tpu.memory_space<vmem>>) semaphore(%arg8 : memref<!tpu.dma_semaphore, #tpu.memory_space<semaphore_mem>>) {add = true}
    %dma_start3A_98 = arith.constant 80 : i32
    %dma_start3A_99 = tpu.memref_slice %arg6[%dma_start3A_98] : memref<10000xi32, #tpu.memory_space<vmem>> -> memref<80xi32, #tpu.memory_space<vmem>>
    %dma_start3A_100 = arith.constant 0 : i32
    %dma_start3A_101 = tpu.memref_slice %arg7[%dma_start3A_100] : memref<10112xf32, #tpu.memory_space<vmem_shared>> -> memref<10112xf32, #tpu.memory_space<vmem_shared>>
    tpu.enqueue_indirect_dma source(%arg4 : memref<80xf32, #tpu.memory_space<vmem>>) target(%dma_start3A_101 : memref<10112xf32, #tpu.memory_space<vmem_shared>>) offsets(%dma_start3A_99 : memref<80xi32, #tpu.memory_space<vmem>>) semaphore(%arg9 : memref<!tpu.dma_semaphore, #tpu.memory_space<semaphore_mem>>) {add = true}
    %dma_start3A_102 = arith.constant 160 : i32
    %dma_start3A_103 = tpu.memref_slice %arg6[%dma_start3A_102] : memref<10000xi32, #tpu.memory_space<vmem>> -> memref<80xi32, #tpu.memory_space<vmem>>
    %dma_start3A_104 = arith.constant 0 : i32
    %dma_start3A_105 = tpu.memref_slice %arg7[%dma_start3A_104] : memref<10112xf32, #tpu.memory_space<vmem_shared>> -> memref<10112xf32, #tpu.memory_space<vmem_shared>>
    tpu.enqueue_indirect_dma source(%arg4 : memref<80xf32, #tpu.memory_space<vmem>>) target(%dma_start3A_105 : memref<10112xf32, #tpu.memory_space<vmem_shared>>) offsets(%dma_start3A_103 : memref<80xi32, #tpu.memory_space<vmem>>) semaphore(%arg10 : memref<!tpu.dma_semaphore, #tpu.memory_space<semaphore_mem>>) {add = true}
    %dma_start3A_106 = arith.constant 240 : i32
    %dma_start3A_107 = tpu.memref_slice %arg6[%dma_start3A_106] : memref<10000xi32, #tpu.memory_space<vmem>> -> memref<80xi32, #tpu.memory_space<vmem>>
    %dma_start3A_108 = arith.constant 0 : i32
    %dma_start3A_109 = tpu.memref_slice %arg7[%dma_start3A_108] : memref<10112xf32, #tpu.memory_space<vmem_shared>> -> memref<10112xf32, #tpu.memory_space<vmem_shared>>
    tpu.enqueue_indirect_dma source(%arg4 : memref<80xf32, #tpu.memory_space<vmem>>) target(%dma_start3A_109 : memref<10112xf32, #tpu.memory_space<vmem_shared>>) offsets(%dma_start3A_107 : memref<80xi32, #tpu.memory_space<vmem>>) semaphore(%arg11 : memref<!tpu.dma_semaphore, #tpu.memory_space<semaphore_mem>>) {add = true}
    %scan3A = arith.constant 0 : i32
    %scan3A_110 = arith.constant 1 : i32
    %scan3A_111 = arith.constant 31 : i32
    %scan3A_112 = arith.addi %scan3A_110, %scan3A_111 : i32
    %scan3A_113 = arith.constant 1 : i32
    scf.for %scan3A_126 = %scan3A_110 to %scan3A_112 step %scan3A_113  : i32 {
      %mul3A_127 = arith.constant 4 : i32
      %mul3A_128 = arith.muli %mul3A_127, %scan3A_126 : i32
      %add3A_129 = arith.constant 0 : i32
      %add3A_130 = arith.addi %mul3A_128, %add3A_129 : i32
      %sub3A = arith.constant 4 : i32
      %sub3A_131 = arith.subi %add3A_130, %sub3A : i32
      %mul3A_132 = arith.constant 80 : i32
      %mul3A_133 = arith.muli %sub3A_131, %mul3A_132 : i32
      %dma_wait3A_134 = tpu.memref_slice %arg6[%mul3A_133] : memref<10000xi32, #tpu.memory_space<vmem>> -> memref<80xi32, #tpu.memory_space<vmem>>
      %dma_wait3A_135 = arith.constant 0 : i32
      %dma_wait3A_136 = tpu.memref_slice %arg7[%dma_wait3A_135] : memref<10112xf32, #tpu.memory_space<vmem_shared>> -> memref<10112xf32, #tpu.memory_space<vmem_shared>>
      tpu.wait_indirect_dma semaphore(%arg8 : memref<!tpu.dma_semaphore, #tpu.memory_space<semaphore_mem>>) src(%arg4 : memref<80xf32, #tpu.memory_space<vmem>>) dst(%dma_wait3A_136 : memref<10112xf32, #tpu.memory_space<vmem_shared>>)
      %lt3A = arith.constant 125 : i32
      %lt3A_137 = arith.cmpi slt, %add3A_130, %lt3A : i32
      %convert_element_type3A = arith.extui %lt3A_137 : i1 to i32
      %cond3A = arith.constant 0 : i32
      %cond3A_138 = arith.cmpi ne, %convert_element_type3A, %cond3A : i32
      scf.if %cond3A_138 {
        %mul3A_187 = arith.constant 80 : i32
        %mul3A_188 = arith.muli %add3A_130, %mul3A_187 : i32
        %dma_start3A_189 = tpu.memref_slice %arg6[%mul3A_188] : memref<10000xi32, #tpu.memory_space<vmem>> -> memref<80xi32, #tpu.memory_space<vmem>>
        %dma_start3A_190 = arith.constant 0 : i32
        %dma_start3A_191 = tpu.memref_slice %arg7[%dma_start3A_190] : memref<10112xf32, #tpu.memory_space<vmem_shared>> -> memref<10112xf32, #tpu.memory_space<vmem_shared>>
        tpu.enqueue_indirect_dma source(%arg4 : memref<80xf32, #tpu.memory_space<vmem>>) target(%dma_start3A_191 : memref<10112xf32, #tpu.memory_space<vmem_shared>>) offsets(%dma_start3A_189 : memref<80xi32, #tpu.memory_space<vmem>>) semaphore(%arg8 : memref<!tpu.dma_semaphore, #tpu.memory_space<semaphore_mem>>) {add = true}
      } else {
      }
      %mul3A_139 = arith.constant 4 : i32
      %mul3A_140 = arith.muli %mul3A_139, %scan3A_126 : i32
      %add3A_141 = arith.constant 1 : i32
      %add3A_142 = arith.addi %mul3A_140, %add3A_141 : i32
      %sub3A_143 = arith.constant 4 : i32
      %sub3A_144 = arith.subi %add3A_142, %sub3A_143 : i32
      %mul3A_145 = arith.constant 80 : i32
      %mul3A_146 = arith.muli %sub3A_144, %mul3A_145 : i32
      %dma_wait3A_147 = tpu.memref_slice %arg6[%mul3A_146] : memref<10000xi32, #tpu.memory_space<vmem>> -> memref<80xi32, #tpu.memory_space<vmem>>
      %dma_wait3A_148 = arith.constant 0 : i32
      %dma_wait3A_149 = tpu.memref_slice %arg7[%dma_wait3A_148] : memref<10112xf32, #tpu.memory_space<vmem_shared>> -> memref<10112xf32, #tpu.memory_space<vmem_shared>>
      tpu.wait_indirect_dma semaphore(%arg9 : memref<!tpu.dma_semaphore, #tpu.memory_space<semaphore_mem>>) src(%arg4 : memref<80xf32, #tpu.memory_space<vmem>>) dst(%dma_wait3A_149 : memref<10112xf32, #tpu.memory_space<vmem_shared>>)
      %lt3A_150 = arith.constant 125 : i32
      %lt3A_151 = arith.cmpi slt, %add3A_142, %lt3A_150 : i32
      %convert_element_type3A_152 = arith.extui %lt3A_151 : i1 to i32
      %cond3A_153 = arith.constant 0 : i32
      %cond3A_154 = arith.cmpi ne, %convert_element_type3A_152, %cond3A_153 : i32
      scf.if %cond3A_154 {
        %mul3A_187 = arith.constant 80 : i32
        %mul3A_188 = arith.muli %add3A_142, %mul3A_187 : i32
        %dma_start3A_189 = tpu.memref_slice %arg6[%mul3A_188] : memref<10000xi32, #tpu.memory_space<vmem>> -> memref<80xi32, #tpu.memory_space<vmem>>
        %dma_start3A_190 = arith.constant 0 : i32
        %dma_start3A_191 = tpu.memref_slice %arg7[%dma_start3A_190] : memref<10112xf32, #tpu.memory_space<vmem_shared>> -> memref<10112xf32, #tpu.memory_space<vmem_shared>>
        tpu.enqueue_indirect_dma source(%arg4 : memref<80xf32, #tpu.memory_space<vmem>>) target(%dma_start3A_191 : memref<10112xf32, #tpu.memory_space<vmem_shared>>) offsets(%dma_start3A_189 : memref<80xi32, #tpu.memory_space<vmem>>) semaphore(%arg9 : memref<!tpu.dma_semaphore, #tpu.memory_space<semaphore_mem>>) {add = true}
      } else {
      }
      %mul3A_155 = arith.constant 4 : i32
      %mul3A_156 = arith.muli %mul3A_155, %scan3A_126 : i32
      %add3A_157 = arith.constant 2 : i32
      %add3A_158 = arith.addi %mul3A_156, %add3A_157 : i32
      %sub3A_159 = arith.constant 4 : i32
      %sub3A_160 = arith.subi %add3A_158, %sub3A_159 : i32
      %mul3A_161 = arith.constant 80 : i32
      %mul3A_162 = arith.muli %sub3A_160, %mul3A_161 : i32
      %dma_wait3A_163 = tpu.memref_slice %arg6[%mul3A_162] : memref<10000xi32, #tpu.memory_space<vmem>> -> memref<80xi32, #tpu.memory_space<vmem>>
      %dma_wait3A_164 = arith.constant 0 : i32
      %dma_wait3A_165 = tpu.memref_slice %arg7[%dma_wait3A_164] : memref<10112xf32, #tpu.memory_space<vmem_shared>> -> memref<10112xf32, #tpu.memory_space<vmem_shared>>
      tpu.wait_indirect_dma semaphore(%arg10 : memref<!tpu.dma_semaphore, #tpu.memory_space<semaphore_mem>>) src(%arg4 : memref<80xf32, #tpu.memory_space<vmem>>) dst(%dma_wait3A_165 : memref<10112xf32, #tpu.memory_space<vmem_shared>>)
      %lt3A_166 = arith.constant 125 : i32
      %lt3A_167 = arith.cmpi slt, %add3A_158, %lt3A_166 : i32
      %convert_element_type3A_168 = arith.extui %lt3A_167 : i1 to i32
      %cond3A_169 = arith.constant 0 : i32
      %cond3A_170 = arith.cmpi ne, %convert_element_type3A_168, %cond3A_169 : i32
      scf.if %cond3A_170 {
        %mul3A_187 = arith.constant 80 : i32
        %mul3A_188 = arith.muli %add3A_158, %mul3A_187 : i32
        %dma_start3A_189 = tpu.memref_slice %arg6[%mul3A_188] : memref<10000xi32, #tpu.memory_space<vmem>> -> memref<80xi32, #tpu.memory_space<vmem>>
        %dma_start3A_190 = arith.constant 0 : i32
        %dma_start3A_191 = tpu.memref_slice %arg7[%dma_start3A_190] : memref<10112xf32, #tpu.memory_space<vmem_shared>> -> memref<10112xf32, #tpu.memory_space<vmem_shared>>
        tpu.enqueue_indirect_dma source(%arg4 : memref<80xf32, #tpu.memory_space<vmem>>) target(%dma_start3A_191 : memref<10112xf32, #tpu.memory_space<vmem_shared>>) offsets(%dma_start3A_189 : memref<80xi32, #tpu.memory_space<vmem>>) semaphore(%arg10 : memref<!tpu.dma_semaphore, #tpu.memory_space<semaphore_mem>>) {add = true}
      } else {
      }
      %mul3A_171 = arith.constant 4 : i32
      %mul3A_172 = arith.muli %mul3A_171, %scan3A_126 : i32
      %add3A_173 = arith.constant 3 : i32
      %add3A_174 = arith.addi %mul3A_172, %add3A_173 : i32
      %sub3A_175 = arith.constant 4 : i32
      %sub3A_176 = arith.subi %add3A_174, %sub3A_175 : i32
      %mul3A_177 = arith.constant 80 : i32
      %mul3A_178 = arith.muli %sub3A_176, %mul3A_177 : i32
      %dma_wait3A_179 = tpu.memref_slice %arg6[%mul3A_178] : memref<10000xi32, #tpu.memory_space<vmem>> -> memref<80xi32, #tpu.memory_space<vmem>>
      %dma_wait3A_180 = arith.constant 0 : i32
      %dma_wait3A_181 = tpu.memref_slice %arg7[%dma_wait3A_180] : memref<10112xf32, #tpu.memory_space<vmem_shared>> -> memref<10112xf32, #tpu.memory_space<vmem_shared>>
      tpu.wait_indirect_dma semaphore(%arg11 : memref<!tpu.dma_semaphore, #tpu.memory_space<semaphore_mem>>) src(%arg4 : memref<80xf32, #tpu.memory_space<vmem>>) dst(%dma_wait3A_181 : memref<10112xf32, #tpu.memory_space<vmem_shared>>)
      %lt3A_182 = arith.constant 125 : i32
      %lt3A_183 = arith.cmpi slt, %add3A_174, %lt3A_182 : i32
      %convert_element_type3A_184 = arith.extui %lt3A_183 : i1 to i32
      %cond3A_185 = arith.constant 0 : i32
      %cond3A_186 = arith.cmpi ne, %convert_element_type3A_184, %cond3A_185 : i32
      scf.if %cond3A_186 {
        %mul3A_187 = arith.constant 80 : i32
        %mul3A_188 = arith.muli %add3A_174, %mul3A_187 : i32
        %dma_start3A_189 = tpu.memref_slice %arg6[%mul3A_188] : memref<10000xi32, #tpu.memory_space<vmem>> -> memref<80xi32, #tpu.memory_space<vmem>>
        %dma_start3A_190 = arith.constant 0 : i32
        %dma_start3A_191 = tpu.memref_slice %arg7[%dma_start3A_190] : memref<10112xf32, #tpu.memory_space<vmem_shared>> -> memref<10112xf32, #tpu.memory_space<vmem_shared>>
        tpu.enqueue_indirect_dma source(%arg4 : memref<80xf32, #tpu.memory_space<vmem>>) target(%dma_start3A_191 : memref<10112xf32, #tpu.memory_space<vmem_shared>>) offsets(%dma_start3A_189 : memref<80xi32, #tpu.memory_space<vmem>>) semaphore(%arg11 : memref<!tpu.dma_semaphore, #tpu.memory_space<semaphore_mem>>) {add = true}
      } else {
      }
    }
    %scan3A_114 = arith.constant 31 : i32
    %dma_wait3A = arith.constant 9920 : i32
    %dma_wait3A_115 = tpu.memref_slice %arg6[%dma_wait3A] : memref<10000xi32, #tpu.memory_space<vmem>> -> memref<80xi32, #tpu.memory_space<vmem>>
    %dma_wait3A_116 = arith.constant 0 : i32
    %dma_wait3A_117 = tpu.memref_slice %arg7[%dma_wait3A_116] : memref<10112xf32, #tpu.memory_space<vmem_shared>> -> memref<10112xf32, #tpu.memory_space<vmem_shared>>
    tpu.wait_indirect_dma semaphore(%arg8 : memref<!tpu.dma_semaphore, #tpu.memory_space<semaphore_mem>>) src(%arg4 : memref<80xf32, #tpu.memory_space<vmem>>) dst(%dma_wait3A_117 : memref<10112xf32, #tpu.memory_space<vmem_shared>>)
    %barrier3A_118 = arith.constant 0 : index
    tpu.barrier barrier_id(%barrier3A_118)
    %mul3A_119 = arith.constant 632 : i32
    %mul3A_120 = arith.muli %arg1, %mul3A_119 : i32
    "tpu.region"() ({
      %run_scoped3A = tpu.sem_alloc : memref<!tpu.dma_semaphore, #tpu.memory_space<semaphore_mem>>
      %dma_start3A_126 = tpu.memref_slice %arg7[%mul3A_120] : memref<10112xf32, #tpu.memory_space<vmem_shared>> -> memref<632xf32, #tpu.memory_space<vmem_shared>>
      %dma_start3A_127 = tpu.memref_slice %arg7[%mul3A_120] : memref<10112xf32, #tpu.memory_space<vmem_shared>> -> memref<632xf32, #tpu.memory_space<vmem_shared>>
      tpu.enqueue_dma source(%dma_start3A_127 : memref<632xf32, #tpu.memory_space<vmem_shared>>) target(%arg5 : memref<632xf32, #tpu.memory_space<vmem>>) target_semaphore(%run_scoped3A : memref<!tpu.dma_semaphore, #tpu.memory_space<semaphore_mem>>)
      %dma_wait3A_128 = tpu.memref_slice %arg7[%mul3A_120] : memref<10112xf32, #tpu.memory_space<vmem_shared>> -> memref<632xf32, #tpu.memory_space<vmem_shared>>
      %dma_wait3A_129 = tpu.memref_slice %arg7[%mul3A_120] : memref<10112xf32, #tpu.memory_space<vmem_shared>> -> memref<632xf32, #tpu.memory_space<vmem_shared>>
      tpu.wait_dma2 semaphore(%run_scoped3A : memref<!tpu.dma_semaphore, #tpu.memory_space<semaphore_mem>>) src(%dma_wait3A_129 : memref<632xf32, #tpu.memory_space<vmem_shared>>) dst(%arg5 : memref<632xf32, #tpu.memory_space<vmem>>)
      tpu.yield
    }) : () -> ()
    %mul3A_121 = arith.constant 10112 : i32
    %mul3A_122 = arith.muli %arg0, %mul3A_121 : i32
    %mul3A_123 = arith.constant 632 : i32
    %mul3A_124 = arith.muli %arg1, %mul3A_123 : i32
    %add3A_125 = arith.addi %mul3A_122, %mul3A_124 : i32
    "tpu.region"() ({
      %run_scoped3A = tpu.sem_alloc : memref<!tpu.dma_semaphore, #tpu.memory_space<semaphore_mem>>
      %dma_start3A_126 = tpu.memref_slice %arg3[%add3A_125] : memref<20224xf32, #tpu.memory_space<hbm>> -> memref<632xf32, #tpu.memory_space<hbm>>
      %dma_start3A_127 = tpu.memref_slice %arg3[%add3A_125] : memref<20224xf32, #tpu.memory_space<hbm>> -> memref<632xf32, #tpu.memory_space<hbm>>
      tpu.enqueue_dma source(%arg5 : memref<632xf32, #tpu.memory_space<vmem>>) target(%dma_start3A_127 : memref<632xf32, #tpu.memory_space<hbm>>) target_semaphore(%run_scoped3A : memref<!tpu.dma_semaphore, #tpu.memory_space<semaphore_mem>>)
      %dma_wait3A_128 = tpu.memref_slice %arg3[%add3A_125] : memref<20224xf32, #tpu.memory_space<hbm>> -> memref<632xf32, #tpu.memory_space<hbm>>
      %dma_wait3A_129 = tpu.memref_slice %arg3[%add3A_125] : memref<20224xf32, #tpu.memory_space<hbm>> -> memref<632xf32, #tpu.memory_space<hbm>>
      tpu.wait_dma2 semaphore(%run_scoped3A : memref<!tpu.dma_semaphore, #tpu.memory_space<semaphore_mem>>) src(%arg5 : memref<632xf32, #tpu.memory_space<vmem>>) dst(%dma_wait3A_129 : memref<632xf32, #tpu.memory_space<hbm>>)
      tpu.yield
    }) : () -> ()
    return
  }
}

#map = affine_map<(d0, d1) -> (0, 0)>
#map1 = affine_map<(d0, d1) -> (0)>
#map2 = affine_map<(d0, d1) -> (0, 0, 0)>
module attributes {stable_mosaic.version = 14 : i64} {
  func.func @_seg_body(%arg0: i32, %arg1: i32, %arg2: memref<10000x128xf32, #tpu.memory_space<hbm>>, %arg3: memref<640000xi32, #tpu.memory_space<hbm>>, %arg4: memref<2x10112x128xf32, #tpu.memory_space<hbm>>, %arg5: memref<10000xi32, #tpu.memory_space<vmem>>, %arg6: memref<10000xi32, #tpu.memory_space<vmem>>, %arg7: memref<80x128xf32, #tpu.memory_space<vmem>>, %arg8: memref<80x128xf32, #tpu.memory_space<vmem>>, %arg9: memref<10112x128xf32, #tpu.memory_space<vmem_shared>>, %arg10: memref<!tpu.dma_semaphore, #tpu.memory_space<semaphore_mem>>, %arg11: memref<!tpu.dma_semaphore, #tpu.memory_space<semaphore_mem>>) attributes {dimension_semantics = [#tpu.dimension_semantics<core_parallel>, #tpu.dimension_semantics<subcore_parallel>], iteration_bounds = array<i64: 2, 16>, scalar_prefetch = 0 : i64, scratch_operands = 7 : i64, tpu.core_type = #tpu.core_type<sc_vector_subcore>, window_params = [{transform_indices = #map}, {transform_indices = #map1}, {transform_indices = #map2}]} {
    %mul3A = arith.constant 16 : i32
    %mul3A_0 = arith.muli %arg0, %mul3A : i32
    %add3A = arith.addi %mul3A_0, %arg1 : i32
    %scan3A = arith.constant 0 : i32
    %scan3A_1 = arith.constant 0 : i32
    %scan3A_2 = arith.constant 80 : i32
    %scan3A_3 = arith.addi %scan3A_1, %scan3A_2 : i32
    %scan3A_4 = arith.constant 1 : i32
    scf.for %scan3A_63 = %scan3A_1 to %scan3A_3 step %scan3A_4  : i32 {
      %broadcast_in_dim3A = arith.constant 0.000000e+00 : f32
      %broadcast_in_dim3A_64 = vector.broadcast %broadcast_in_dim3A : f32 to vector<16xf32>
      %swap3A = arith.index_cast %scan3A_63 : i32 to index
      %swap3A_65 = arith.constant 0 : index
      %swap3A_66 = tpu.vector_load %arg7[%swap3A, %swap3A_65] {strides = array<i32>} : memref<80x128xf32, #tpu.memory_space<vmem>>, vector<1x16xf32>,
      %swap3A_67 = vector.shape_cast %swap3A_66 : vector<1x16xf32> to vector<16xf32>
      %swap3A_68 = vector.shape_cast %broadcast_in_dim3A_64 : vector<16xf32> to vector<1x16xf32>
      tpu.vector_store %arg7[%swap3A, %swap3A_65], %swap3A_68 {strides = array<i32>} : memref<80x128xf32, #tpu.memory_space<vmem>>, vector<1x16xf32>,
      %broadcast_in_dim3A_69 = arith.constant 0.000000e+00 : f32
      %broadcast_in_dim3A_70 = vector.broadcast %broadcast_in_dim3A_69 : f32 to vector<16xf32>
      %swap3A_71 = arith.index_cast %scan3A_63 : i32 to index
      %swap3A_72 = arith.constant 16 : index
      %swap3A_73 = tpu.vector_load %arg7[%swap3A_71, %swap3A_72] {strides = array<i32>} : memref<80x128xf32, #tpu.memory_space<vmem>>, vector<1x16xf32>,
      %swap3A_74 = vector.shape_cast %swap3A_73 : vector<1x16xf32> to vector<16xf32>
      %swap3A_75 = vector.shape_cast %broadcast_in_dim3A_70 : vector<16xf32> to vector<1x16xf32>
      tpu.vector_store %arg7[%swap3A_71, %swap3A_72], %swap3A_75 {strides = array<i32>} : memref<80x128xf32, #tpu.memory_space<vmem>>, vector<1x16xf32>,
      %broadcast_in_dim3A_76 = arith.constant 0.000000e+00 : f32
      %broadcast_in_dim3A_77 = vector.broadcast %broadcast_in_dim3A_76 : f32 to vector<16xf32>
      %swap3A_78 = arith.index_cast %scan3A_63 : i32 to index
      %swap3A_79 = arith.constant 32 : index
      %swap3A_80 = tpu.vector_load %arg7[%swap3A_78, %swap3A_79] {strides = array<i32>} : memref<80x128xf32, #tpu.memory_space<vmem>>, vector<1x16xf32>,
      %swap3A_81 = vector.shape_cast %swap3A_80 : vector<1x16xf32> to vector<16xf32>
      %swap3A_82 = vector.shape_cast %broadcast_in_dim3A_77 : vector<16xf32> to vector<1x16xf32>
      tpu.vector_store %arg7[%swap3A_78, %swap3A_79], %swap3A_82 {strides = array<i32>} : memref<80x128xf32, #tpu.memory_space<vmem>>, vector<1x16xf32>,
      %broadcast_in_dim3A_83 = arith.constant 0.000000e+00 : f32
      %broadcast_in_dim3A_84 = vector.broadcast %broadcast_in_dim3A_83 : f32 to vector<16xf32>
      %swap3A_85 = arith.index_cast %scan3A_63 : i32 to index
      %swap3A_86 = arith.constant 48 : index
      %swap3A_87 = tpu.vector_load %arg7[%swap3A_85, %swap3A_86] {strides = array<i32>} : memref<80x128xf32, #tpu.memory_space<vmem>>, vector<1x16xf32>,
      %swap3A_88 = vector.shape_cast %swap3A_87 : vector<1x16xf32> to vector<16xf32>
      %swap3A_89 = vector.shape_cast %broadcast_in_dim3A_84 : vector<16xf32> to vector<1x16xf32>
      tpu.vector_store %arg7[%swap3A_85, %swap3A_86], %swap3A_89 {strides = array<i32>} : memref<80x128xf32, #tpu.memory_space<vmem>>, vector<1x16xf32>,
      %broadcast_in_dim3A_90 = arith.constant 0.000000e+00 : f32
      %broadcast_in_dim3A_91 = vector.broadcast %broadcast_in_dim3A_90 : f32 to vector<16xf32>
      %swap3A_92 = arith.index_cast %scan3A_63 : i32 to index
      %swap3A_93 = arith.constant 64 : index
      %swap3A_94 = tpu.vector_load %arg7[%swap3A_92, %swap3A_93] {strides = array<i32>} : memref<80x128xf32, #tpu.memory_space<vmem>>, vector<1x16xf32>,
      %swap3A_95 = vector.shape_cast %swap3A_94 : vector<1x16xf32> to vector<16xf32>
      %swap3A_96 = vector.shape_cast %broadcast_in_dim3A_91 : vector<16xf32> to vector<1x16xf32>
      tpu.vector_store %arg7[%swap3A_92, %swap3A_93], %swap3A_96 {strides = array<i32>} : memref<80x128xf32, #tpu.memory_space<vmem>>, vector<1x16xf32>,
      %broadcast_in_dim3A_97 = arith.constant 0.000000e+00 : f32
      %broadcast_in_dim3A_98 = vector.broadcast %broadcast_in_dim3A_97 : f32 to vector<16xf32>
      %swap3A_99 = arith.index_cast %scan3A_63 : i32 to index
      %swap3A_100 = arith.constant 80 : index
      %swap3A_101 = tpu.vector_load %arg7[%swap3A_99, %swap3A_100] {strides = array<i32>} : memref<80x128xf32, #tpu.memory_space<vmem>>, vector<1x16xf32>,
      %swap3A_102 = vector.shape_cast %swap3A_101 : vector<1x16xf32> to vector<16xf32>
      %swap3A_103 = vector.shape_cast %broadcast_in_dim3A_98 : vector<16xf32> to vector<1x16xf32>
      tpu.vector_store %arg7[%swap3A_99, %swap3A_100], %swap3A_103 {strides = array<i32>} : memref<80x128xf32, #tpu.memory_space<vmem>>, vector<1x16xf32>,
      %broadcast_in_dim3A_104 = arith.constant 0.000000e+00 : f32
      %broadcast_in_dim3A_105 = vector.broadcast %broadcast_in_dim3A_104 : f32 to vector<16xf32>
      %swap3A_106 = arith.index_cast %scan3A_63 : i32 to index
      %swap3A_107 = arith.constant 96 : index
      %swap3A_108 = tpu.vector_load %arg7[%swap3A_106, %swap3A_107] {strides = array<i32>} : memref<80x128xf32, #tpu.memory_space<vmem>>, vector<1x16xf32>,
      %swap3A_109 = vector.shape_cast %swap3A_108 : vector<1x16xf32> to vector<16xf32>
      %swap3A_110 = vector.shape_cast %broadcast_in_dim3A_105 : vector<16xf32> to vector<1x16xf32>
      tpu.vector_store %arg7[%swap3A_106, %swap3A_107], %swap3A_110 {strides = array<i32>} : memref<80x128xf32, #tpu.memory_space<vmem>>, vector<1x16xf32>,
      %broadcast_in_dim3A_111 = arith.constant 0.000000e+00 : f32
      %broadcast_in_dim3A_112 = vector.broadcast %broadcast_in_dim3A_111 : f32 to vector<16xf32>
      %swap3A_113 = arith.index_cast %scan3A_63 : i32 to index
      %swap3A_114 = arith.constant 112 : index
      %swap3A_115 = tpu.vector_load %arg7[%swap3A_113, %swap3A_114] {strides = array<i32>} : memref<80x128xf32, #tpu.memory_space<vmem>>, vector<1x16xf32>,
      %swap3A_116 = vector.shape_cast %swap3A_115 : vector<1x16xf32> to vector<16xf32>
      %swap3A_117 = vector.shape_cast %broadcast_in_dim3A_112 : vector<16xf32> to vector<1x16xf32>
      tpu.vector_store %arg7[%swap3A_113, %swap3A_114], %swap3A_117 {strides = array<i32>} : memref<80x128xf32, #tpu.memory_space<vmem>>, vector<1x16xf32>,
    }
    %scan3A_5 = arith.constant 80 : i32
    %mul3A_6 = arith.constant 632 : i32
    %mul3A_7 = arith.muli %arg1, %mul3A_6 : i32
    %add3A_8 = arith.constant 0 : i32
    %add3A_9 = arith.addi %mul3A_7, %add3A_8 : i32
    "tpu.region"() ({
      %run_scoped3A = tpu.sem_alloc : memref<!tpu.dma_semaphore, #tpu.memory_space<semaphore_mem>>
      %dma_start3A_63 = arith.constant 0 : i32
      %dma_start3A_64 = tpu.memref_slice %arg9[%add3A_9, %dma_start3A_63] : memref<10112x128xf32, #tpu.memory_space<vmem_shared>> -> memref<80x128xf32, #tpu.memory_space<vmem_shared>>
      %dma_start3A_65 = arith.constant 0 : i32
      %dma_start3A_66 = tpu.memref_slice %arg9[%add3A_9, %dma_start3A_65] : memref<10112x128xf32, #tpu.memory_space<vmem_shared>> -> memref<80x128xf32, #tpu.memory_space<vmem_shared>>
      tpu.enqueue_dma source(%arg7 : memref<80x128xf32, #tpu.memory_space<vmem>>) target(%dma_start3A_66 : memref<80x128xf32, #tpu.memory_space<vmem_shared>>) target_semaphore(%run_scoped3A : memref<!tpu.dma_semaphore, #tpu.memory_space<semaphore_mem>>)
      %dma_wait3A_67 = arith.constant 0 : i32
      %dma_wait3A_68 = tpu.memref_slice %arg9[%add3A_9, %dma_wait3A_67] : memref<10112x128xf32, #tpu.memory_space<vmem_shared>> -> memref<80x128xf32, #tpu.memory_space<vmem_shared>>
      %dma_wait3A_69 = arith.constant 0 : i32
      %dma_wait3A_70 = tpu.memref_slice %arg9[%add3A_9, %dma_wait3A_69] : memref<10112x128xf32, #tpu.memory_space<vmem_shared>> -> memref<80x128xf32, #tpu.memory_space<vmem_shared>>
      tpu.wait_dma2 semaphore(%run_scoped3A : memref<!tpu.dma_semaphore, #tpu.memory_space<semaphore_mem>>) src(%arg7 : memref<80x128xf32, #tpu.memory_space<vmem>>) dst(%dma_wait3A_70 : memref<80x128xf32, #tpu.memory_space<vmem_shared>>)
      tpu.yield
    }) : () -> ()
    %mul3A_10 = arith.constant 632 : i32
    %mul3A_11 = arith.muli %arg1, %mul3A_10 : i32
    %add3A_12 = arith.constant 80 : i32
    %add3A_13 = arith.addi %mul3A_11, %add3A_12 : i32
    "tpu.region"() ({
      %run_scoped3A = tpu.sem_alloc : memref<!tpu.dma_semaphore, #tpu.memory_space<semaphore_mem>>
      %dma_start3A_63 = arith.constant 0 : i32
      %dma_start3A_64 = tpu.memref_slice %arg9[%add3A_13, %dma_start3A_63] : memref<10112x128xf32, #tpu.memory_space<vmem_shared>> -> memref<80x128xf32, #tpu.memory_space<vmem_shared>>
      %dma_start3A_65 = arith.constant 0 : i32
      %dma_start3A_66 = tpu.memref_slice %arg9[%add3A_13, %dma_start3A_65] : memref<10112x128xf32, #tpu.memory_space<vmem_shared>> -> memref<80x128xf32, #tpu.memory_space<vmem_shared>>
      tpu.enqueue_dma source(%arg7 : memref<80x128xf32, #tpu.memory_space<vmem>>) target(%dma_start3A_66 : memref<80x128xf32, #tpu.memory_space<vmem_shared>>) target_semaphore(%run_scoped3A : memref<!tpu.dma_semaphore, #tpu.memory_space<semaphore_mem>>)
      %dma_wait3A_67 = arith.constant 0 : i32
      %dma_wait3A_68 = tpu.memref_slice %arg9[%add3A_13, %dma_wait3A_67] : memref<10112x128xf32, #tpu.memory_space<vmem_shared>> -> memref<80x128xf32, #tpu.memory_space<vmem_shared>>
      %dma_wait3A_69 = arith.constant 0 : i32
      %dma_wait3A_70 = tpu.memref_slice %arg9[%add3A_13, %dma_wait3A_69] : memref<10112x128xf32, #tpu.memory_space<vmem_shared>> -> memref<80x128xf32, #tpu.memory_space<vmem_shared>>
      tpu.wait_dma2 semaphore(%run_scoped3A : memref<!tpu.dma_semaphore, #tpu.memory_space<semaphore_mem>>) src(%arg7 : memref<80x128xf32, #tpu.memory_space<vmem>>) dst(%dma_wait3A_70 : memref<80x128xf32, #tpu.memory_space<vmem_shared>>)
      tpu.yield
    }) : () -> ()
    %mul3A_14 = arith.constant 632 : i32
    %mul3A_15 = arith.muli %arg1, %mul3A_14 : i32
    %add3A_16 = arith.constant 160 : i32
    %add3A_17 = arith.addi %mul3A_15, %add3A_16 : i32
    "tpu.region"() ({
      %run_scoped3A = tpu.sem_alloc : memref<!tpu.dma_semaphore, #tpu.memory_space<semaphore_mem>>
      %dma_start3A_63 = arith.constant 0 : i32
      %dma_start3A_64 = tpu.memref_slice %arg9[%add3A_17, %dma_start3A_63] : memref<10112x128xf32, #tpu.memory_space<vmem_shared>> -> memref<80x128xf32, #tpu.memory_space<vmem_shared>>
      %dma_start3A_65 = arith.constant 0 : i32
      %dma_start3A_66 = tpu.memref_slice %arg9[%add3A_17, %dma_start3A_65] : memref<10112x128xf32, #tpu.memory_space<vmem_shared>> -> memref<80x128xf32, #tpu.memory_space<vmem_shared>>
      tpu.enqueue_dma source(%arg7 : memref<80x128xf32, #tpu.memory_space<vmem>>) target(%dma_start3A_66 : memref<80x128xf32, #tpu.memory_space<vmem_shared>>) target_semaphore(%run_scoped3A : memref<!tpu.dma_semaphore, #tpu.memory_space<semaphore_mem>>)
      %dma_wait3A_67 = arith.constant 0 : i32
      %dma_wait3A_68 = tpu.memref_slice %arg9[%add3A_17, %dma_wait3A_67] : memref<10112x128xf32, #tpu.memory_space<vmem_shared>> -> memref<80x128xf32, #tpu.memory_space<vmem_shared>>
      %dma_wait3A_69 = arith.constant 0 : i32
      %dma_wait3A_70 = tpu.memref_slice %arg9[%add3A_17, %dma_wait3A_69] : memref<10112x128xf32, #tpu.memory_space<vmem_shared>> -> memref<80x128xf32, #tpu.memory_space<vmem_shared>>
      tpu.wait_dma2 semaphore(%run_scoped3A : memref<!tpu.dma_semaphore, #tpu.memory_space<semaphore_mem>>) src(%arg7 : memref<80x128xf32, #tpu.memory_space<vmem>>) dst(%dma_wait3A_70 : memref<80x128xf32, #tpu.memory_space<vmem_shared>>)
      tpu.yield
    }) : () -> ()
    %mul3A_18 = arith.constant 632 : i32
    %mul3A_19 = arith.muli %arg1, %mul3A_18 : i32
    %add3A_20 = arith.constant 240 : i32
    %add3A_21 = arith.addi %mul3A_19, %add3A_20 : i32
    "tpu.region"() ({
      %run_scoped3A = tpu.sem_alloc : memref<!tpu.dma_semaphore, #tpu.memory_space<semaphore_mem>>
      %dma_start3A_63 = arith.constant 0 : i32
      %dma_start3A_64 = tpu.memref_slice %arg9[%add3A_21, %dma_start3A_63] : memref<10112x128xf32, #tpu.memory_space<vmem_shared>> -> memref<80x128xf32, #tpu.memory_space<vmem_shared>>
      %dma_start3A_65 = arith.constant 0 : i32
      %dma_start3A_66 = tpu.memref_slice %arg9[%add3A_21, %dma_start3A_65] : memref<10112x128xf32, #tpu.memory_space<vmem_shared>> -> memref<80x128xf32, #tpu.memory_space<vmem_shared>>
      tpu.enqueue_dma source(%arg7 : memref<80x128xf32, #tpu.memory_space<vmem>>) target(%dma_start3A_66 : memref<80x128xf32, #tpu.memory_space<vmem_shared>>) target_semaphore(%run_scoped3A : memref<!tpu.dma_semaphore, #tpu.memory_space<semaphore_mem>>)
      %dma_wait3A_67 = arith.constant 0 : i32
      %dma_wait3A_68 = tpu.memref_slice %arg9[%add3A_21, %dma_wait3A_67] : memref<10112x128xf32, #tpu.memory_space<vmem_shared>> -> memref<80x128xf32, #tpu.memory_space<vmem_shared>>
      %dma_wait3A_69 = arith.constant 0 : i32
      %dma_wait3A_70 = tpu.memref_slice %arg9[%add3A_21, %dma_wait3A_69] : memref<10112x128xf32, #tpu.memory_space<vmem_shared>> -> memref<80x128xf32, #tpu.memory_space<vmem_shared>>
      tpu.wait_dma2 semaphore(%run_scoped3A : memref<!tpu.dma_semaphore, #tpu.memory_space<semaphore_mem>>) src(%arg7 : memref<80x128xf32, #tpu.memory_space<vmem>>) dst(%dma_wait3A_70 : memref<80x128xf32, #tpu.memory_space<vmem_shared>>)
      tpu.yield
    }) : () -> ()
    %mul3A_22 = arith.constant 632 : i32
    %mul3A_23 = arith.muli %arg1, %mul3A_22 : i32
    %add3A_24 = arith.constant 320 : i32
    %add3A_25 = arith.addi %mul3A_23, %add3A_24 : i32
    "tpu.region"() ({
      %run_scoped3A = tpu.sem_alloc : memref<!tpu.dma_semaphore, #tpu.memory_space<semaphore_mem>>
      %dma_start3A_63 = arith.constant 0 : i32
      %dma_start3A_64 = tpu.memref_slice %arg9[%add3A_25, %dma_start3A_63] : memref<10112x128xf32, #tpu.memory_space<vmem_shared>> -> memref<80x128xf32, #tpu.memory_space<vmem_shared>>
      %dma_start3A_65 = arith.constant 0 : i32
      %dma_start3A_66 = tpu.memref_slice %arg9[%add3A_25, %dma_start3A_65] : memref<10112x128xf32, #tpu.memory_space<vmem_shared>> -> memref<80x128xf32, #tpu.memory_space<vmem_shared>>
      tpu.enqueue_dma source(%arg7 : memref<80x128xf32, #tpu.memory_space<vmem>>) target(%dma_start3A_66 : memref<80x128xf32, #tpu.memory_space<vmem_shared>>) target_semaphore(%run_scoped3A : memref<!tpu.dma_semaphore, #tpu.memory_space<semaphore_mem>>)
      %dma_wait3A_67 = arith.constant 0 : i32
      %dma_wait3A_68 = tpu.memref_slice %arg9[%add3A_25, %dma_wait3A_67] : memref<10112x128xf32, #tpu.memory_space<vmem_shared>> -> memref<80x128xf32, #tpu.memory_space<vmem_shared>>
      %dma_wait3A_69 = arith.constant 0 : i32
      %dma_wait3A_70 = tpu.memref_slice %arg9[%add3A_25, %dma_wait3A_69] : memref<10112x128xf32, #tpu.memory_space<vmem_shared>> -> memref<80x128xf32, #tpu.memory_space<vmem_shared>>
      tpu.wait_dma2 semaphore(%run_scoped3A : memref<!tpu.dma_semaphore, #tpu.memory_space<semaphore_mem>>) src(%arg7 : memref<80x128xf32, #tpu.memory_space<vmem>>) dst(%dma_wait3A_70 : memref<80x128xf32, #tpu.memory_space<vmem_shared>>)
      tpu.yield
    }) : () -> ()
    %mul3A_26 = arith.constant 632 : i32
    %mul3A_27 = arith.muli %arg1, %mul3A_26 : i32
    %add3A_28 = arith.constant 400 : i32
    %add3A_29 = arith.addi %mul3A_27, %add3A_28 : i32
    "tpu.region"() ({
      %run_scoped3A = tpu.sem_alloc : memref<!tpu.dma_semaphore, #tpu.memory_space<semaphore_mem>>
      %dma_start3A_63 = arith.constant 0 : i32
      %dma_start3A_64 = tpu.memref_slice %arg9[%add3A_29, %dma_start3A_63] : memref<10112x128xf32, #tpu.memory_space<vmem_shared>> -> memref<80x128xf32, #tpu.memory_space<vmem_shared>>
      %dma_start3A_65 = arith.constant 0 : i32
      %dma_start3A_66 = tpu.memref_slice %arg9[%add3A_29, %dma_start3A_65] : memref<10112x128xf32, #tpu.memory_space<vmem_shared>> -> memref<80x128xf32, #tpu.memory_space<vmem_shared>>
      tpu.enqueue_dma source(%arg7 : memref<80x128xf32, #tpu.memory_space<vmem>>) target(%dma_start3A_66 : memref<80x128xf32, #tpu.memory_space<vmem_shared>>) target_semaphore(%run_scoped3A : memref<!tpu.dma_semaphore, #tpu.memory_space<semaphore_mem>>)
      %dma_wait3A_67 = arith.constant 0 : i32
      %dma_wait3A_68 = tpu.memref_slice %arg9[%add3A_29, %dma_wait3A_67] : memref<10112x128xf32, #tpu.memory_space<vmem_shared>> -> memref<80x128xf32, #tpu.memory_space<vmem_shared>>
      %dma_wait3A_69 = arith.constant 0 : i32
      %dma_wait3A_70 = tpu.memref_slice %arg9[%add3A_29, %dma_wait3A_69] : memref<10112x128xf32, #tpu.memory_space<vmem_shared>> -> memref<80x128xf32, #tpu.memory_space<vmem_shared>>
      tpu.wait_dma2 semaphore(%run_scoped3A : memref<!tpu.dma_semaphore, #tpu.memory_space<semaphore_mem>>) src(%arg7 : memref<80x128xf32, #tpu.memory_space<vmem>>) dst(%dma_wait3A_70 : memref<80x128xf32, #tpu.memory_space<vmem_shared>>)
      tpu.yield
    }) : () -> ()
    %mul3A_30 = arith.constant 632 : i32
    %mul3A_31 = arith.muli %arg1, %mul3A_30 : i32
    %add3A_32 = arith.constant 480 : i32
    %add3A_33 = arith.addi %mul3A_31, %add3A_32 : i32
    "tpu.region"() ({
      %run_scoped3A = tpu.sem_alloc : memref<!tpu.dma_semaphore, #tpu.memory_space<semaphore_mem>>
      %dma_start3A_63 = arith.constant 0 : i32
      %dma_start3A_64 = tpu.memref_slice %arg9[%add3A_33, %dma_start3A_63] : memref<10112x128xf32, #tpu.memory_space<vmem_shared>> -> memref<80x128xf32, #tpu.memory_space<vmem_shared>>
      %dma_start3A_65 = arith.constant 0 : i32
      %dma_start3A_66 = tpu.memref_slice %arg9[%add3A_33, %dma_start3A_65] : memref<10112x128xf32, #tpu.memory_space<vmem_shared>> -> memref<80x128xf32, #tpu.memory_space<vmem_shared>>
      tpu.enqueue_dma source(%arg7 : memref<80x128xf32, #tpu.memory_space<vmem>>) target(%dma_start3A_66 : memref<80x128xf32, #tpu.memory_space<vmem_shared>>) target_semaphore(%run_scoped3A : memref<!tpu.dma_semaphore, #tpu.memory_space<semaphore_mem>>)
      %dma_wait3A_67 = arith.constant 0 : i32
      %dma_wait3A_68 = tpu.memref_slice %arg9[%add3A_33, %dma_wait3A_67] : memref<10112x128xf32, #tpu.memory_space<vmem_shared>> -> memref<80x128xf32, #tpu.memory_space<vmem_shared>>
      %dma_wait3A_69 = arith.constant 0 : i32
      %dma_wait3A_70 = tpu.memref_slice %arg9[%add3A_33, %dma_wait3A_69] : memref<10112x128xf32, #tpu.memory_space<vmem_shared>> -> memref<80x128xf32, #tpu.memory_space<vmem_shared>>
      tpu.wait_dma2 semaphore(%run_scoped3A : memref<!tpu.dma_semaphore, #tpu.memory_space<semaphore_mem>>) src(%arg7 : memref<80x128xf32, #tpu.memory_space<vmem>>) dst(%dma_wait3A_70 : memref<80x128xf32, #tpu.memory_space<vmem_shared>>)
      tpu.yield
    }) : () -> ()
    %mul3A_34 = arith.constant 632 : i32
    %mul3A_35 = arith.muli %arg1, %mul3A_34 : i32
    %add3A_36 = arith.constant 560 : i32
    %add3A_37 = arith.addi %mul3A_35, %add3A_36 : i32
    "tpu.region"() ({
      %run_scoped3A = tpu.sem_alloc : memref<!tpu.dma_semaphore, #tpu.memory_space<semaphore_mem>>
      %dma_start3A_63 = arith.constant 0 : i32
      %dma_start3A_64 = arith.constant 0 : i32
      %dma_start3A_65 = tpu.memref_slice %arg7[%dma_start3A_63, %dma_start3A_64] : memref<80x128xf32, #tpu.memory_space<vmem>> -> memref<72x128xf32, #tpu.memory_space<vmem>>
      %dma_start3A_66 = arith.constant 0 : i32
      %dma_start3A_67 = tpu.memref_slice %arg9[%add3A_37, %dma_start3A_66] : memref<10112x128xf32, #tpu.memory_space<vmem_shared>> -> memref<72x128xf32, #tpu.memory_space<vmem_shared>>
      %dma_start3A_68 = arith.constant 0 : i32
      %dma_start3A_69 = tpu.memref_slice %arg9[%add3A_37, %dma_start3A_68] : memref<10112x128xf32, #tpu.memory_space<vmem_shared>> -> memref<72x128xf32, #tpu.memory_space<vmem_shared>>
      %dma_start3A_70 = arith.constant 0 : i32
      %dma_start3A_71 = arith.constant 0 : i32
      %dma_start3A_72 = tpu.memref_slice %arg7[%dma_start3A_70, %dma_start3A_71] : memref<80x128xf32, #tpu.memory_space<vmem>> -> memref<72x128xf32, #tpu.memory_space<vmem>>
      tpu.enqueue_dma source(%dma_start3A_72 : memref<72x128xf32, #tpu.memory_space<vmem>>) target(%dma_start3A_69 : memref<72x128xf32, #tpu.memory_space<vmem_shared>>) target_semaphore(%run_scoped3A : memref<!tpu.dma_semaphore, #tpu.memory_space<semaphore_mem>>)
      %dma_wait3A_73 = arith.constant 0 : i32
      %dma_wait3A_74 = arith.constant 0 : i32
      %dma_wait3A_75 = tpu.memref_slice %arg7[%dma_wait3A_73, %dma_wait3A_74] : memref<80x128xf32, #tpu.memory_space<vmem>> -> memref<72x128xf32, #tpu.memory_space<vmem>>
      %dma_wait3A_76 = arith.constant 0 : i32
      %dma_wait3A_77 = tpu.memref_slice %arg9[%add3A_37, %dma_wait3A_76] : memref<10112x128xf32, #tpu.memory_space<vmem_shared>> -> memref<72x128xf32, #tpu.memory_space<vmem_shared>>
      %dma_wait3A_78 = arith.constant 0 : i32
      %dma_wait3A_79 = tpu.memref_slice %arg9[%add3A_37, %dma_wait3A_78] : memref<10112x128xf32, #tpu.memory_space<vmem_shared>> -> memref<72x128xf32, #tpu.memory_space<vmem_shared>>
      %dma_wait3A_80 = arith.constant 0 : i32
      %dma_wait3A_81 = arith.constant 0 : i32
      %dma_wait3A_82 = tpu.memref_slice %arg7[%dma_wait3A_80, %dma_wait3A_81] : memref<80x128xf32, #tpu.memory_space<vmem>> -> memref<72x128xf32, #tpu.memory_space<vmem>>
      tpu.wait_dma2 semaphore(%run_scoped3A : memref<!tpu.dma_semaphore, #tpu.memory_space<semaphore_mem>>) src(%dma_wait3A_82 : memref<72x128xf32, #tpu.memory_space<vmem>>) dst(%dma_wait3A_79 : memref<72x128xf32, #tpu.memory_space<vmem_shared>>)
      tpu.yield
    }) : () -> ()
    %barrier3A = arith.constant 0 : index
    tpu.barrier barrier_id(%barrier3A)
    %mul3A_38 = arith.constant 10000 : i32
    %mul3A_39 = arith.muli %add3A, %mul3A_38 : i32
    "tpu.region"() ({
      %run_scoped3A = tpu.sem_alloc : memref<!tpu.dma_semaphore, #tpu.memory_space<semaphore_mem>>
      %dma_start3A_63 = tpu.memref_slice %arg3[%mul3A_39] : memref<640000xi32, #tpu.memory_space<hbm>> -> memref<10000xi32, #tpu.memory_space<hbm>>
      %dma_start3A_64 = tpu.memref_slice %arg3[%mul3A_39] : memref<640000xi32, #tpu.memory_space<hbm>> -> memref<10000xi32, #tpu.memory_space<hbm>>
      tpu.enqueue_dma source(%dma_start3A_64 : memref<10000xi32, #tpu.memory_space<hbm>>) target(%arg5 : memref<10000xi32, #tpu.memory_space<vmem>>) target_semaphore(%run_scoped3A : memref<!tpu.dma_semaphore, #tpu.memory_space<semaphore_mem>>)
      %dma_wait3A_65 = tpu.memref_slice %arg3[%mul3A_39] : memref<640000xi32, #tpu.memory_space<hbm>> -> memref<10000xi32, #tpu.memory_space<hbm>>
      %dma_wait3A_66 = tpu.memref_slice %arg3[%mul3A_39] : memref<640000xi32, #tpu.memory_space<hbm>> -> memref<10000xi32, #tpu.memory_space<hbm>>
      tpu.wait_dma2 semaphore(%run_scoped3A : memref<!tpu.dma_semaphore, #tpu.memory_space<semaphore_mem>>) src(%dma_wait3A_66 : memref<10000xi32, #tpu.memory_space<hbm>>) dst(%arg5 : memref<10000xi32, #tpu.memory_space<vmem>>)
      tpu.yield
    }) : () -> ()
    %mul3A_40 = arith.constant 10000 : i32
    %mul3A_41 = arith.muli %add3A, %mul3A_40 : i32
    %add3A_42 = arith.constant 320000 : i32
    %add3A_43 = arith.addi %add3A_42, %mul3A_41 : i32
    "tpu.region"() ({
      %run_scoped3A = tpu.sem_alloc : memref<!tpu.dma_semaphore, #tpu.memory_space<semaphore_mem>>
      %dma_start3A_63 = tpu.memref_slice %arg3[%add3A_43] : memref<640000xi32, #tpu.memory_space<hbm>> -> memref<10000xi32, #tpu.memory_space<hbm>>
      %dma_start3A_64 = tpu.memref_slice %arg3[%add3A_43] : memref<640000xi32, #tpu.memory_space<hbm>> -> memref<10000xi32, #tpu.memory_space<hbm>>
      tpu.enqueue_dma source(%dma_start3A_64 : memref<10000xi32, #tpu.memory_space<hbm>>) target(%arg6 : memref<10000xi32, #tpu.memory_space<vmem>>) target_semaphore(%run_scoped3A : memref<!tpu.dma_semaphore, #tpu.memory_space<semaphore_mem>>)
      %dma_wait3A_65 = tpu.memref_slice %arg3[%add3A_43] : memref<640000xi32, #tpu.memory_space<hbm>> -> memref<10000xi32, #tpu.memory_space<hbm>>
      %dma_wait3A_66 = tpu.memref_slice %arg3[%add3A_43] : memref<640000xi32, #tpu.memory_space<hbm>> -> memref<10000xi32, #tpu.memory_space<hbm>>
      tpu.wait_dma2 semaphore(%run_scoped3A : memref<!tpu.dma_semaphore, #tpu.memory_space<semaphore_mem>>) src(%dma_wait3A_66 : memref<10000xi32, #tpu.memory_space<hbm>>) dst(%arg6 : memref<10000xi32, #tpu.memory_space<vmem>>)
      tpu.yield
    }) : () -> ()
    %dma_start3A = arith.constant 0 : i32
    %dma_start3A_44 = tpu.memref_slice %arg5[%dma_start3A] : memref<10000xi32, #tpu.memory_space<vmem>> -> memref<80xi32, #tpu.memory_space<vmem>>
    %dma_start3A_45 = arith.constant 0 : i32
    %dma_start3A_46 = arith.constant 0 : i32
    %dma_start3A_47 = tpu.memref_slice %arg2[%dma_start3A_45, %dma_start3A_46] : memref<10000x128xf32, #tpu.memory_space<hbm>> -> memref<10000x128xf32, #tpu.memory_space<hbm>>
    tpu.enqueue_indirect_dma source(%dma_start3A_47 : memref<10000x128xf32, #tpu.memory_space<hbm>>) target(%arg7 : memref<80x128xf32, #tpu.memory_space<vmem>>) offsets(%dma_start3A_44 : memref<80xi32, #tpu.memory_space<vmem>>) semaphore(%arg10 : memref<!tpu.dma_semaphore, #tpu.memory_space<semaphore_mem>>)
    %scan3A_48 = arith.constant 0 : i32
    %scan3A_49 = arith.constant 0 : i32
    %scan3A_50 = arith.constant 62 : i32
    %scan3A_51 = arith.addi %scan3A_49, %scan3A_50 : i32
    %scan3A_52 = arith.constant 1 : i32
    scf.for %scan3A_63 = %scan3A_49 to %scan3A_51 step %scan3A_52  : i32 {
      %mul3A_64 = arith.constant 2 : i32
      %mul3A_65 = arith.muli %mul3A_64, %scan3A_63 : i32
      %mul3A_66 = arith.constant 2 : i32
      %mul3A_67 = arith.muli %mul3A_66, %scan3A_63 : i32
      %add3A_68 = arith.constant 1 : i32
      %add3A_69 = arith.addi %mul3A_67, %add3A_68 : i32
      %mul3A_70 = arith.constant 80 : i32
      %mul3A_71 = arith.muli %add3A_69, %mul3A_70 : i32
      %dma_start3A_72 = tpu.memref_slice %arg5[%mul3A_71] : memref<10000xi32, #tpu.memory_space<vmem>> -> memref<80xi32, #tpu.memory_space<vmem>>
      %dma_start3A_73 = arith.constant 0 : i32
      %dma_start3A_74 = arith.constant 0 : i32
      %dma_start3A_75 = tpu.memref_slice %arg2[%dma_start3A_73, %dma_start3A_74] : memref<10000x128xf32, #tpu.memory_space<hbm>> -> memref<10000x128xf32, #tpu.memory_space<hbm>>
      tpu.enqueue_indirect_dma source(%dma_start3A_75 : memref<10000x128xf32, #tpu.memory_space<hbm>>) target(%arg8 : memref<80x128xf32, #tpu.memory_space<vmem>>) offsets(%dma_start3A_72 : memref<80xi32, #tpu.memory_space<vmem>>) semaphore(%arg11 : memref<!tpu.dma_semaphore, #tpu.memory_space<semaphore_mem>>)
      %mul3A_76 = arith.constant 80 : i32
      %mul3A_77 = arith.muli %mul3A_65, %mul3A_76 : i32
      %dma_wait3A_78 = tpu.memref_slice %arg5[%mul3A_77] : memref<10000xi32, #tpu.memory_space<vmem>> -> memref<80xi32, #tpu.memory_space<vmem>>
      %dma_wait3A_79 = arith.constant 0 : i32
      %dma_wait3A_80 = arith.constant 0 : i32
      %dma_wait3A_81 = tpu.memref_slice %arg2[%dma_wait3A_79, %dma_wait3A_80] : memref<10000x128xf32, #tpu.memory_space<hbm>> -> memref<10000x128xf32, #tpu.memory_space<hbm>>
      tpu.wait_indirect_dma semaphore(%arg10 : memref<!tpu.dma_semaphore, #tpu.memory_space<semaphore_mem>>) src(%dma_wait3A_81 : memref<10000x128xf32, #tpu.memory_space<hbm>>) dst(%arg7 : memref<80x128xf32, #tpu.memory_space<vmem>>)
      %mul3A_82 = arith.constant 80 : i32
      %mul3A_83 = arith.muli %mul3A_65, %mul3A_82 : i32
      "tpu.region"() ({
        %run_scoped3A = tpu.sem_alloc : memref<!tpu.dma_semaphore, #tpu.memory_space<semaphore_mem>>
        %dma_start3A_100 = tpu.memref_slice %arg6[%mul3A_83] : memref<10000xi32, #tpu.memory_space<vmem>> -> memref<80xi32, #tpu.memory_space<vmem>>
        %dma_start3A_101 = arith.constant 0 : i32
        %dma_start3A_102 = arith.constant 0 : i32
        %dma_start3A_103 = tpu.memref_slice %arg9[%dma_start3A_101, %dma_start3A_102] : memref<10112x128xf32, #tpu.memory_space<vmem_shared>> -> memref<10112x128xf32, #tpu.memory_space<vmem_shared>>
        tpu.enqueue_indirect_dma source(%arg7 : memref<80x128xf32, #tpu.memory_space<vmem>>) target(%dma_start3A_103 : memref<10112x128xf32, #tpu.memory_space<vmem_shared>>) offsets(%dma_start3A_100 : memref<80xi32, #tpu.memory_space<vmem>>) semaphore(%run_scoped3A : memref<!tpu.dma_semaphore, #tpu.memory_space<semaphore_mem>>) {add = true}
        %dma_wait3A_104 = tpu.memref_slice %arg6[%mul3A_83] : memref<10000xi32, #tpu.memory_space<vmem>> -> memref<80xi32, #tpu.memory_space<vmem>>
        %dma_wait3A_105 = arith.constant 0 : i32
        %dma_wait3A_106 = arith.constant 0 : i32
        %dma_wait3A_107 = tpu.memref_slice %arg9[%dma_wait3A_105, %dma_wait3A_106] : memref<10112x128xf32, #tpu.memory_space<vmem_shared>> -> memref<10112x128xf32, #tpu.memory_space<vmem_shared>>
        tpu.wait_indirect_dma semaphore(%run_scoped3A : memref<!tpu.dma_semaphore, #tpu.memory_space<semaphore_mem>>) src(%arg7 : memref<80x128xf32, #tpu.memory_space<vmem>>) dst(%dma_wait3A_107 : memref<10112x128xf32, #tpu.memory_space<vmem_shared>>)
        tpu.yield
      }) : () -> ()
      %add3A_84 = arith.constant 1 : i32
      %add3A_85 = arith.addi %add3A_69, %add3A_84 : i32
      %mul3A_86 = arith.constant 80 : i32
      %mul3A_87 = arith.muli %add3A_85, %mul3A_86 : i32
      %dma_start3A_88 = tpu.memref_slice %arg5[%mul3A_87] : memref<10000xi32, #tpu.memory_space<vmem>> -> memref<80xi32, #tpu.memory_space<vmem>>
      %dma_start3A_89 = arith.constant 0 : i32
      %dma_start3A_90 = arith.constant 0 : i32
      %dma_start3A_91 = tpu.memref_slice %arg2[%dma_start3A_89, %dma_start3A_90] : memref<10000x128xf32, #tpu.memory_space<hbm>> -> memref<10000x128xf32, #tpu.memory_space<hbm>>
      tpu.enqueue_indirect_dma source(%dma_start3A_91 : memref<10000x128xf32, #tpu.memory_space<hbm>>) target(%arg7 : memref<80x128xf32, #tpu.memory_space<vmem>>) offsets(%dma_start3A_88 : memref<80xi32, #tpu.memory_space<vmem>>) semaphore(%arg10 : memref<!tpu.dma_semaphore, #tpu.memory_space<semaphore_mem>>)
      %mul3A_92 = arith.constant 80 : i32
      %mul3A_93 = arith.muli %add3A_69, %mul3A_92 : i32
      %dma_wait3A_94 = tpu.memref_slice %arg5[%mul3A_93] : memref<10000xi32, #tpu.memory_space<vmem>> -> memref<80xi32, #tpu.memory_space<vmem>>
      %dma_wait3A_95 = arith.constant 0 : i32
      %dma_wait3A_96 = arith.constant 0 : i32
      %dma_wait3A_97 = tpu.memref_slice %arg2[%dma_wait3A_95, %dma_wait3A_96] : memref<10000x128xf32, #tpu.memory_space<hbm>> -> memref<10000x128xf32, #tpu.memory_space<hbm>>
      tpu.wait_indirect_dma semaphore(%arg11 : memref<!tpu.dma_semaphore, #tpu.memory_space<semaphore_mem>>) src(%dma_wait3A_97 : memref<10000x128xf32, #tpu.memory_space<hbm>>) dst(%arg8 : memref<80x128xf32, #tpu.memory_space<vmem>>)
      %mul3A_98 = arith.constant 80 : i32
      %mul3A_99 = arith.muli %add3A_69, %mul3A_98 : i32
      "tpu.region"() ({
        %run_scoped3A = tpu.sem_alloc : memref<!tpu.dma_semaphore, #tpu.memory_space<semaphore_mem>>
        %dma_start3A_100 = tpu.memref_slice %arg6[%mul3A_99] : memref<10000xi32, #tpu.memory_space<vmem>> -> memref<80xi32, #tpu.memory_space<vmem>>
        %dma_start3A_101 = arith.constant 0 : i32
        %dma_start3A_102 = arith.constant 0 : i32
        %dma_start3A_103 = tpu.memref_slice %arg9[%dma_start3A_101, %dma_start3A_102] : memref<10112x128xf32, #tpu.memory_space<vmem_shared>> -> memref<10112x128xf32, #tpu.memory_space<vmem_shared>>
        tpu.enqueue_indirect_dma source(%arg8 : memref<80x128xf32, #tpu.memory_space<vmem>>) target(%dma_start3A_103 : memref<10112x128xf32, #tpu.memory_space<vmem_shared>>) offsets(%dma_start3A_100 : memref<80xi32, #tpu.memory_space<vmem>>) semaphore(%run_scoped3A : memref<!tpu.dma_semaphore, #tpu.memory_space<semaphore_mem>>) {add = true}
        %dma_wait3A_104 = tpu.memref_slice %arg6[%mul3A_99] : memref<10000xi32, #tpu.memory_space<vmem>> -> memref<80xi32, #tpu.memory_space<vmem>>
        %dma_wait3A_105 = arith.constant 0 : i32
        %dma_wait3A_106 = arith.constant 0 : i32
        %dma_wait3A_107 = tpu.memref_slice %arg9[%dma_wait3A_105, %dma_wait3A_106] : memref<10112x128xf32, #tpu.memory_space<vmem_shared>> -> memref<10112x128xf32, #tpu.memory_space<vmem_shared>>
        tpu.wait_indirect_dma semaphore(%run_scoped3A : memref<!tpu.dma_semaphore, #tpu.memory_space<semaphore_mem>>) src(%arg8 : memref<80x128xf32, #tpu.memory_space<vmem>>) dst(%dma_wait3A_107 : memref<10112x128xf32, #tpu.memory_space<vmem_shared>>)
        tpu.yield
      }) : () -> ()
    }
    %scan3A_53 = arith.constant 62 : i32
    %dma_wait3A = arith.constant 9920 : i32
    %dma_wait3A_54 = tpu.memref_slice %arg5[%dma_wait3A] : memref<10000xi32, #tpu.memory_space<vmem>> -> memref<80xi32, #tpu.memory_space<vmem>>
    %dma_wait3A_55 = arith.constant 0 : i32
    %dma_wait3A_56 = arith.constant 0 : i32
    %dma_wait3A_57 = tpu.memref_slice %arg2[%dma_wait3A_55, %dma_wait3A_56] : memref<10000x128xf32, #tpu.memory_space<hbm>> -> memref<10000x128xf32, #tpu.memory_space<hbm>>
    tpu.wait_indirect_dma semaphore(%arg10 : memref<!tpu.dma_semaphore, #tpu.memory_space<semaphore_mem>>) src(%dma_wait3A_57 : memref<10000x128xf32, #tpu.memory_space<hbm>>) dst(%arg7 : memref<80x128xf32, #tpu.memory_space<vmem>>)
    "tpu.region"() ({
      %run_scoped3A = tpu.sem_alloc : memref<!tpu.dma_semaphore, #tpu.memory_space<semaphore_mem>>
      %dma_start3A_63 = arith.constant 9920 : i32
      %dma_start3A_64 = tpu.memref_slice %arg6[%dma_start3A_63] : memref<10000xi32, #tpu.memory_space<vmem>> -> memref<80xi32, #tpu.memory_space<vmem>>
      %dma_start3A_65 = arith.constant 0 : i32
      %dma_start3A_66 = arith.constant 0 : i32
      %dma_start3A_67 = tpu.memref_slice %arg9[%dma_start3A_65, %dma_start3A_66] : memref<10112x128xf32, #tpu.memory_space<vmem_shared>> -> memref<10112x128xf32, #tpu.memory_space<vmem_shared>>
      tpu.enqueue_indirect_dma source(%arg7 : memref<80x128xf32, #tpu.memory_space<vmem>>) target(%dma_start3A_67 : memref<10112x128xf32, #tpu.memory_space<vmem_shared>>) offsets(%dma_start3A_64 : memref<80xi32, #tpu.memory_space<vmem>>) semaphore(%run_scoped3A : memref<!tpu.dma_semaphore, #tpu.memory_space<semaphore_mem>>) {add = true}
      %dma_wait3A_68 = arith.constant 9920 : i32
      %dma_wait3A_69 = tpu.memref_slice %arg6[%dma_wait3A_68] : memref<10000xi32, #tpu.memory_space<vmem>> -> memref<80xi32, #tpu.memory_space<vmem>>
      %dma_wait3A_70 = arith.constant 0 : i32
      %dma_wait3A_71 = arith.constant 0 : i32
      %dma_wait3A_72 = tpu.memref_slice %arg9[%dma_wait3A_70, %dma_wait3A_71] : memref<10112x128xf32, #tpu.memory_space<vmem_shared>> -> memref<10112x128xf32, #tpu.memory_space<vmem_shared>>
      tpu.wait_indirect_dma semaphore(%run_scoped3A : memref<!tpu.dma_semaphore, #tpu.memory_space<semaphore_mem>>) src(%arg7 : memref<80x128xf32, #tpu.memory_space<vmem>>) dst(%dma_wait3A_72 : memref<10112x128xf32, #tpu.memory_space<vmem_shared>>)
      tpu.yield
    }) : () -> ()
    %barrier3A_58 = arith.constant 0 : index
    tpu.barrier barrier_id(%barrier3A_58)
    %mul3A_59 = arith.constant 632 : i32
    %mul3A_60 = arith.muli %arg1, %mul3A_59 : i32
    %mul3A_61 = arith.constant 632 : i32
    %mul3A_62 = arith.muli %arg1, %mul3A_61 : i32
    "tpu.region"() ({
      %run_scoped3A = tpu.sem_alloc : memref<!tpu.dma_semaphore, #tpu.memory_space<semaphore_mem>>
      %dma_start3A_63 = arith.constant 0 : i32
      %dma_start3A_64 = tpu.memref_slice %arg4[%arg0, %mul3A_62, %dma_start3A_63] : memref<2x10112x128xf32, #tpu.memory_space<hbm>> -> memref<1x632x128xf32, #tpu.memory_space<hbm>>
      %dma_start3A_65 = tpu.memref_squeeze %dma_start3A_64 : memref<1x632x128xf32, #tpu.memory_space<hbm>> -> memref<632x128xf32, #tpu.memory_space<hbm>>
      %dma_start3A_66 = arith.constant 0 : i32
      %dma_start3A_67 = tpu.memref_slice %arg9[%mul3A_60, %dma_start3A_66] : memref<10112x128xf32, #tpu.memory_space<vmem_shared>> -> memref<632x128xf32, #tpu.memory_space<vmem_shared>>
      tpu.enqueue_dma source(%dma_start3A_67 : memref<632x128xf32, #tpu.memory_space<vmem_shared>>) target(%dma_start3A_65 : memref<632x128xf32, #tpu.memory_space<hbm>>) target_semaphore(%run_scoped3A : memref<!tpu.dma_semaphore, #tpu.memory_space<semaphore_mem>>)
      %dma_wait3A_68 = arith.constant 0 : i32
      %dma_wait3A_69 = tpu.memref_slice %arg4[%arg0, %mul3A_62, %dma_wait3A_68] : memref<2x10112x128xf32, #tpu.memory_space<hbm>> -> memref<1x632x128xf32, #tpu.memory_space<hbm>>
      %dma_wait3A_70 = tpu.memref_squeeze %dma_wait3A_69 : memref<1x632x128xf32, #tpu.memory_space<hbm>> -> memref<632x128xf32, #tpu.memory_space<hbm>>
      %dma_wait3A_71 = arith.constant 0 : i32
      %dma_wait3A_72 = tpu.memref_slice %arg9[%mul3A_60, %dma_wait3A_71] : memref<10112x128xf32, #tpu.memory_space<vmem_shared>> -> memref<632x128xf32, #tpu.memory_space<vmem_shared>>
      tpu.wait_dma2 semaphore(%run_scoped3A : memref<!tpu.dma_semaphore, #tpu.memory_space<semaphore_mem>>) src(%dma_wait3A_72 : memref<632x128xf32, #tpu.memory_space<vmem_shared>>) dst(%dma_wait3A_70 : memref<632x128xf32, #tpu.memory_space<hbm>>)
      tpu.yield
    }) : () -> ()
    return
  }
}

module attributes {stable_mosaic.version = 14 : i64} {
  func.func @_tc2_body(%arg0: i32, %arg1: memref<2x1024x128xf32, #tpu.memory_space<vmem>>, %arg2: memref<1024x128xf32, #tpu.memory_space<vmem>>, %arg3: memref<2x1024xf32, #tpu.memory_space<vmem>>, %arg4: memref<1x128xf32, #tpu.memory_space<vmem>>, %arg5: memref<128x128xf32, #tpu.memory_space<vmem>>, %arg6: memref<1024x128xf32, #tpu.memory_space<vmem>>) attributes {dimension_semantics = [#tpu.dimension_semantics<arbitrary>], iteration_bounds = array<i64: 10>, scalar_prefetch = 0 : i64, scratch_operands = 0 : i64, tpu.core_type = #tpu.core_type<tc>, window_params = [{transform_indices = @transform_0, window_bounds = array<i64: 2, 1024, 128>}, {transform_indices = @transform_1, window_bounds = array<i64: 1024, 128>}, {transform_indices = @transform_2, window_bounds = array<i64: 2, 1024>}, {pipeline_mode = #tpu.pipeline_mode<synchronous>, transform_indices = @transform_3, window_bounds = array<i64: 1, 128>}, {pipeline_mode = #tpu.pipeline_mode<synchronous>, transform_indices = @transform_4, window_bounds = array<i64: 128, 128>}, {transform_indices = @transform_5, window_bounds = array<i64: 1024, 128>}]} {
    %get3A = arith.constant 0 : index
    %get3A_0 = arith.constant 0 : index
    %get3A_1 = vector.load %arg3[%get3A, %get3A_0] : memref<2x1024xf32, #tpu.memory_space<vmem>>, vector<1x1024xf32>
    %get3A_2 = vector.shape_cast %get3A_1 : vector<1x1024xf32> to vector<1024xf32>
    %get3A_3 = arith.constant 1 : index
    %get3A_4 = arith.constant 0 : index
    %get3A_5 = vector.load %arg3[%get3A_3, %get3A_4] : memref<2x1024xf32, #tpu.memory_space<vmem>>, vector<1x1024xf32>
    %get3A_6 = vector.shape_cast %get3A_5 : vector<1x1024xf32> to vector<1024xf32>
    %add3A = arith.addf %get3A_2, %get3A_6 : vector<1024xf32>
    %add3A_7 = arith.constant 1.000000e+00 : f32
    %add3A_8 = vector.broadcast %add3A_7 : f32 to vector<1024xf32>
    %add3A_9 = arith.addf %add3A, %add3A_8 : vector<1024xf32>
    %rsqrt3A = math.rsqrt %add3A_9 : vector<1024xf32>
    %broadcast_in_dim3A = vector.shape_cast %rsqrt3A : vector<1024xf32> to vector<1024x1xf32>
    %get3A_10 = arith.constant 0 : index
    %get3A_11 = arith.constant 0 : index
    %get3A_12 = arith.constant 0 : index
    %get3A_13 = vector.load %arg1[%get3A_10, %get3A_11, %get3A_12] : memref<2x1024x128xf32, #tpu.memory_space<vmem>>, vector<1x1024x128xf32>
    %get3A_14 = vector.shape_cast %get3A_13 : vector<1x1024x128xf32> to vector<1024x128xf32>
    %get3A_15 = arith.constant 1 : index
    %get3A_16 = arith.constant 0 : index
    %get3A_17 = arith.constant 0 : index
    %get3A_18 = vector.load %arg1[%get3A_15, %get3A_16, %get3A_17] : memref<2x1024x128xf32, #tpu.memory_space<vmem>>, vector<1x1024x128xf32>
    %get3A_19 = vector.shape_cast %get3A_18 : vector<1x1024x128xf32> to vector<1024x128xf32>
    %add3A_20 = arith.addf %get3A_14, %get3A_19 : vector<1024x128xf32>
    %get3A_21 = arith.constant 0 : index
    %get3A_22 = arith.constant 0 : index
    %get3A_23 = vector.load %arg2[%get3A_21, %get3A_22] : memref<1024x128xf32, #tpu.memory_space<vmem>>, vector<1024x128xf32>
    %add3A_24 = arith.addf %add3A_20, %get3A_23 : vector<1024x128xf32>
    %mul3A = vector.broadcast %broadcast_in_dim3A : vector<1024x1xf32> to vector<1024x128xf32>
    %mul3A_25 = arith.mulf %mul3A, %add3A_24 : vector<1024x128xf32>
    %get3A_26 = arith.constant 0 : index
    %get3A_27 = arith.constant 0 : index
    %get3A_28 = vector.load %arg4[%get3A_26, %get3A_27] : memref<1x128xf32, #tpu.memory_space<vmem>>, vector<1x128xf32>
    %add3A_29 = vector.broadcast %get3A_28 : vector<1x128xf32> to vector<1024x128xf32>
    %add3A_30 = arith.addf %mul3A_25, %add3A_29 : vector<1024x128xf32>
    %max3A = arith.constant 0.000000e+00 : f32
    %max3A_31 = vector.broadcast %max3A : f32 to vector<1024x128xf32>
    %max3A_32 = arith.maximumf %add3A_30, %max3A_31 : vector<1024x128xf32>
    %get3A_33 = arith.constant 0 : index
    %get3A_34 = arith.constant 0 : index
    %get3A_35 = vector.load %arg5[%get3A_33, %get3A_34] : memref<128x128xf32, #tpu.memory_space<vmem>>, vector<128x128xf32>
    %dot_general3A = arith.constant dense<0.000000e+00> : vector<1024x128xf32>
    %dot_general3A_36 = tpu.matmul %max3A_32, %get3A_35, %dot_general3A {dimension_numbers = #tpu.dot_dimension_numbers<[1], [0], [0], [1], [0, 0, 1, 1], [], []>, transpose_lhs_hint = false} : vector<1024x128xf32>, vector<128x128xf32>, vector<1024x128xf32> -> vector<1024x128xf32>
    %mul3A_37 = vector.broadcast %broadcast_in_dim3A : vector<1024x1xf32> to vector<1024x128xf32>
    %mul3A_38 = arith.mulf %dot_general3A_36, %mul3A_37 : vector<1024x128xf32>
    %swap3A = arith.constant 0 : index
    %swap3A_39 = arith.constant 0 : index
    %swap3A_40 = vector.load %arg6[%swap3A, %swap3A_39] : memref<1024x128xf32, #tpu.memory_space<vmem>>, vector<1024x128xf32>
    tpu.vector_store %arg6[%swap3A, %swap3A_39], %mul3A_38 {strides = array<i32>} : memref<1024x128xf32, #tpu.memory_space<vmem>>, vector<1024x128xf32>,
    return
  }
  func.func @transform_0(%arg0: i32) -> (i32, i32, i32) {
    %c0_i32 = arith.constant 0 : i32
    %c0_i32_0 = arith.constant 0 : i32
    %c0_i32_1 = arith.constant 0 : i32
    return %c0_i32, %arg0, %c0_i32_0 : i32, i32, i32
  }
  func.func @transform_1(%arg0: i32) -> (i32, i32) {
    %c0_i32 = arith.constant 0 : i32
    %c0_i32_0 = arith.constant 0 : i32
    return %arg0, %c0_i32 : i32, i32
  }
  func.func @transform_2(%arg0: i32) -> (i32, i32) {
    %c0_i32 = arith.constant 0 : i32
    %c0_i32_0 = arith.constant 0 : i32
    return %c0_i32, %arg0 : i32, i32
  }
  func.func @transform_3(%arg0: i32) -> (i32, i32) {
    %c0_i32 = arith.constant 0 : i32
    %c0_i32_0 = arith.constant 0 : i32
    %c0_i32_1 = arith.constant 0 : i32
    return %c0_i32, %c0_i32_0 : i32, i32
  }
  func.func @transform_4(%arg0: i32) -> (i32, i32) {
    %c0_i32 = arith.constant 0 : i32
    %c0_i32_0 = arith.constant 0 : i32
    %c0_i32_1 = arith.constant 0 : i32
    return %c0_i32, %c0_i32_0 : i32, i32
  }
  func.func @transform_5(%arg0: i32) -> (i32, i32) {
    %c0_i32 = arith.constant 0 : i32
    %c0_i32_0 = arith.constant 0 : i32
    return %arg0, %c0_i32 : i32, i32
  }
}

module attributes {stable_mosaic.version = 14 : i64} {
  func.func @_tc1_body(%arg0: i32, %arg1: memref<1024x128xf32, #tpu.memory_space<vmem>>, %arg2: memref<128x128xf32, #tpu.memory_space<vmem>>, %arg3: memref<2x1024xf32, #tpu.memory_space<vmem>>, %arg4: memref<1024x128xf32, #tpu.memory_space<vmem>>) attributes {dimension_semantics = [#tpu.dimension_semantics<arbitrary>], iteration_bounds = array<i64: 10>, scalar_prefetch = 0 : i64, scratch_operands = 0 : i64, tpu.core_type = #tpu.core_type<tc>, window_params = [{transform_indices = @transform_0, window_bounds = array<i64: 1024, 128>}, {pipeline_mode = #tpu.pipeline_mode<synchronous>, transform_indices = @transform_1, window_bounds = array<i64: 128, 128>}, {transform_indices = @transform_2, window_bounds = array<i64: 2, 1024>}, {transform_indices = @transform_3, window_bounds = array<i64: 1024, 128>}]} {
    %get3A = arith.constant 0 : index
    %get3A_0 = arith.constant 0 : index
    %get3A_1 = vector.load %arg1[%get3A, %get3A_0] : memref<1024x128xf32, #tpu.memory_space<vmem>>, vector<1024x128xf32>
    %get3A_2 = arith.constant 0 : index
    %get3A_3 = arith.constant 0 : index
    %get3A_4 = vector.load %arg3[%get3A_2, %get3A_3] : memref<2x1024xf32, #tpu.memory_space<vmem>>, vector<1x1024xf32>
    %get3A_5 = vector.shape_cast %get3A_4 : vector<1x1024xf32> to vector<1024xf32>
    %get3A_6 = arith.constant 1 : index
    %get3A_7 = arith.constant 0 : index
    %get3A_8 = vector.load %arg3[%get3A_6, %get3A_7] : memref<2x1024xf32, #tpu.memory_space<vmem>>, vector<1x1024xf32>
    %get3A_9 = vector.shape_cast %get3A_8 : vector<1x1024xf32> to vector<1024xf32>
    %add3A = arith.addf %get3A_5, %get3A_9 : vector<1024xf32>
    %add3A_10 = arith.constant 1.000000e+00 : f32
    %add3A_11 = vector.broadcast %add3A_10 : f32 to vector<1024xf32>
    %add3A_12 = arith.addf %add3A, %add3A_11 : vector<1024xf32>
    %rsqrt3A = math.rsqrt %add3A_12 : vector<1024xf32>
    %broadcast_in_dim3A = vector.shape_cast %rsqrt3A : vector<1024xf32> to vector<1024x1xf32>
    %mul3A = vector.broadcast %broadcast_in_dim3A : vector<1024x1xf32> to vector<1024x128xf32>
    %mul3A_13 = arith.mulf %get3A_1, %mul3A : vector<1024x128xf32>
    %get3A_14 = arith.constant 0 : index
    %get3A_15 = arith.constant 0 : index
    %get3A_16 = vector.load %arg2[%get3A_14, %get3A_15] : memref<128x128xf32, #tpu.memory_space<vmem>>, vector<128x128xf32>
    %dot_general3A = arith.constant dense<0.000000e+00> : vector<1024x128xf32>
    %dot_general3A_17 = tpu.matmul %mul3A_13, %get3A_16, %dot_general3A {dimension_numbers = #tpu.dot_dimension_numbers<[1], [0], [0], [1], [0, 0, 1, 1], [], []>, transpose_lhs_hint = false} : vector<1024x128xf32>, vector<128x128xf32>, vector<1024x128xf32> -> vector<1024x128xf32>
    %swap3A = arith.constant 0 : index
    %swap3A_18 = arith.constant 0 : index
    %swap3A_19 = vector.load %arg4[%swap3A, %swap3A_18] : memref<1024x128xf32, #tpu.memory_space<vmem>>, vector<1024x128xf32>
    tpu.vector_store %arg4[%swap3A, %swap3A_18], %dot_general3A_17 {strides = array<i32>} : memref<1024x128xf32, #tpu.memory_space<vmem>>, vector<1024x128xf32>,
    return
  }
  func.func @transform_0(%arg0: i32) -> (i32, i32) {
    %c0_i32 = arith.constant 0 : i32
    %c0_i32_0 = arith.constant 0 : i32
    return %arg0, %c0_i32 : i32, i32
  }
  func.func @transform_1(%arg0: i32) -> (i32, i32) {
    %c0_i32 = arith.constant 0 : i32
    %c0_i32_0 = arith.constant 0 : i32
    %c0_i32_1 = arith.constant 0 : i32
    return %c0_i32, %c0_i32_0 : i32, i32
  }
  func.func @transform_2(%arg0: i32) -> (i32, i32) {
    %c0_i32 = arith.constant 0 : i32
    %c0_i32_0 = arith.constant 0 : i32
    return %c0_i32, %arg0 : i32, i32
  }
  func.func @transform_3(%arg0: i32) -> (i32, i32) {
    %c0_i32 = arith.constant 0 : i32
    %c0_i32_0 = arith.constant 0 : i32
    return %arg0, %c0_i32 : i32, i32
  }
}

module attributes {stable_mosaic.version = 14 : i64} {
  func.func @_tc3_body(%arg0: i32, %arg1: memref<2x1024x128xf32, #tpu.memory_space<vmem>>, %arg2: memref<1024x128xf32, #tpu.memory_space<vmem>>, %arg3: memref<2x1024xf32, #tpu.memory_space<vmem>>, %arg4: memref<1x128xf32, #tpu.memory_space<vmem>>, %arg5: memref<1024x128xf32, #tpu.memory_space<vmem>>) attributes {dimension_semantics = [#tpu.dimension_semantics<arbitrary>], iteration_bounds = array<i64: 10>, scalar_prefetch = 0 : i64, scratch_operands = 0 : i64, tpu.core_type = #tpu.core_type<tc>, window_params = [{transform_indices = @transform_0, window_bounds = array<i64: 2, 1024, 128>}, {transform_indices = @transform_1, window_bounds = array<i64: 1024, 128>}, {transform_indices = @transform_2, window_bounds = array<i64: 2, 1024>}, {pipeline_mode = #tpu.pipeline_mode<synchronous>, transform_indices = @transform_3, window_bounds = array<i64: 1, 128>}, {transform_indices = @transform_4, window_bounds = array<i64: 1024, 128>}]} {
    %get3A = arith.constant 0 : index
    %get3A_0 = arith.constant 0 : index
    %get3A_1 = vector.load %arg3[%get3A, %get3A_0] : memref<2x1024xf32, #tpu.memory_space<vmem>>, vector<1x1024xf32>
    %get3A_2 = vector.shape_cast %get3A_1 : vector<1x1024xf32> to vector<1024xf32>
    %get3A_3 = arith.constant 1 : index
    %get3A_4 = arith.constant 0 : index
    %get3A_5 = vector.load %arg3[%get3A_3, %get3A_4] : memref<2x1024xf32, #tpu.memory_space<vmem>>, vector<1x1024xf32>
    %get3A_6 = vector.shape_cast %get3A_5 : vector<1x1024xf32> to vector<1024xf32>
    %add3A = arith.addf %get3A_2, %get3A_6 : vector<1024xf32>
    %add3A_7 = arith.constant 1.000000e+00 : f32
    %add3A_8 = vector.broadcast %add3A_7 : f32 to vector<1024xf32>
    %add3A_9 = arith.addf %add3A, %add3A_8 : vector<1024xf32>
    %rsqrt3A = math.rsqrt %add3A_9 : vector<1024xf32>
    %broadcast_in_dim3A = vector.shape_cast %rsqrt3A : vector<1024xf32> to vector<1024x1xf32>
    %get3A_10 = arith.constant 0 : index
    %get3A_11 = arith.constant 0 : index
    %get3A_12 = arith.constant 0 : index
    %get3A_13 = vector.load %arg1[%get3A_10, %get3A_11, %get3A_12] : memref<2x1024x128xf32, #tpu.memory_space<vmem>>, vector<1x1024x128xf32>
    %get3A_14 = vector.shape_cast %get3A_13 : vector<1x1024x128xf32> to vector<1024x128xf32>
    %get3A_15 = arith.constant 1 : index
    %get3A_16 = arith.constant 0 : index
    %get3A_17 = arith.constant 0 : index
    %get3A_18 = vector.load %arg1[%get3A_15, %get3A_16, %get3A_17] : memref<2x1024x128xf32, #tpu.memory_space<vmem>>, vector<1x1024x128xf32>
    %get3A_19 = vector.shape_cast %get3A_18 : vector<1x1024x128xf32> to vector<1024x128xf32>
    %add3A_20 = arith.addf %get3A_14, %get3A_19 : vector<1024x128xf32>
    %get3A_21 = arith.constant 0 : index
    %get3A_22 = arith.constant 0 : index
    %get3A_23 = vector.load %arg2[%get3A_21, %get3A_22] : memref<1024x128xf32, #tpu.memory_space<vmem>>, vector<1024x128xf32>
    %add3A_24 = arith.addf %add3A_20, %get3A_23 : vector<1024x128xf32>
    %mul3A = vector.broadcast %broadcast_in_dim3A : vector<1024x1xf32> to vector<1024x128xf32>
    %mul3A_25 = arith.mulf %mul3A, %add3A_24 : vector<1024x128xf32>
    %get3A_26 = arith.constant 0 : index
    %get3A_27 = arith.constant 0 : index
    %get3A_28 = vector.load %arg4[%get3A_26, %get3A_27] : memref<1x128xf32, #tpu.memory_space<vmem>>, vector<1x128xf32>
    %add3A_29 = vector.broadcast %get3A_28 : vector<1x128xf32> to vector<1024x128xf32>
    %add3A_30 = arith.addf %mul3A_25, %add3A_29 : vector<1024x128xf32>
    %swap3A = arith.constant 0 : index
    %swap3A_31 = arith.constant 0 : index
    %swap3A_32 = vector.load %arg5[%swap3A, %swap3A_31] : memref<1024x128xf32, #tpu.memory_space<vmem>>, vector<1024x128xf32>
    tpu.vector_store %arg5[%swap3A, %swap3A_31], %add3A_30 {strides = array<i32>} : memref<1024x128xf32, #tpu.memory_space<vmem>>, vector<1024x128xf32>,
    return
  }
  func.func @transform_0(%arg0: i32) -> (i32, i32, i32) {
    %c0_i32 = arith.constant 0 : i32
    %c0_i32_0 = arith.constant 0 : i32
    %c0_i32_1 = arith.constant 0 : i32
    return %c0_i32, %arg0, %c0_i32_0 : i32, i32, i32
  }
  func.func @transform_1(%arg0: i32) -> (i32, i32) {
    %c0_i32 = arith.constant 0 : i32
    %c0_i32_0 = arith.constant 0 : i32
    return %arg0, %c0_i32 : i32, i32
  }
  func.func @transform_2(%arg0: i32) -> (i32, i32) {
    %c0_i32 = arith.constant 0 : i32
    %c0_i32_0 = arith.constant 0 : i32
    return %c0_i32, %arg0 : i32, i32
  }
  func.func @transform_3(%arg0: i32) -> (i32, i32) {
    %c0_i32 = arith.constant 0 : i32
    %c0_i32_0 = arith.constant 0 : i32
    %c0_i32_1 = arith.constant 0 : i32
    return %c0_i32, %c0_i32_0 : i32, i32
  }
  func.func @transform_4(%arg0: i32) -> (i32, i32) {
    %c0_i32 = arith.constant 0 : i32
    %c0_i32_0 = arith.constant 0 : i32
    return %arg0, %c0_i32 : i32, i32
  }
}

</mosaic_0001>

<sc_bundles>
// kernel: kernel.11.cloned.1.call-start
scs
__scs_entry_jumppad:
0x0: {  	(pc) =	sbr.rel $0x88, $3  }
0x1: {  	(tag) =	ssettag $0x0;
	lr =	simm.s32 $0x1  }
0x2: {  	[smem:$0x3F9B] =	sst lr;
	_ =	strace $0xD0000000  }
0x3: {  	_ = 	snop  }
0x4: {  	_ = 	snop  }
0x5: {  	_ = 	snop  }
0x6: {  	_ = 	snop  }
0x7: {  	_ = 	snop  }
__scs_overlays_trampoline_lowered:
0x8: {  	[smem:$0x3FAA] =	sst s0  }
0x9: {  	[smem:$0x3FAB] =	sst s1  }
0xa: {  	[smem:$0x3FAC] =	sst s2  }
0xb: {  	[smem:$0x3FAD] =	sst s3  }
0xc: {  	[smem:$0x3FAE] =	sst s4  }
0xd: {  	[smem:$0x3FAF] =	sst s5  }
0xe: {  	[smem:$0x3FB0] =	sst s6  }
0xf: {  	[smem:$0x3FB1] =	sst s7  }
0x10: {  	[smem:$0x3FB2] =	sst s8  }
0x11: {  	[smem:$0x3FB3] =	sst s9;
	s0 =	simm.s32 @!p0 $0x0  }
0x12: {  	s1 =	sld [smem:$0x3F99];
	s0 =	simm.s32 @p0 $0x1  }
0x13: {  	[smem:$0x3FB4] =	sst s0;
	s0 =	simm.s32 @!p1 $0x0  }
0x14: {  	s2 =	sld [smem:$0x3F98];
	s0 =	simm.s32 @p1 $0x1  }
0x15: {  	[smem:$0x3FB5] =	sst s0;
	s0 =	simm.s32 @!p2 $0x0  }
0x16: {  	s3 =	sld [smem:$0x3FDB];
	s0 =	simm.s32 @p2 $0x1  }
0x17: {  	s4 =	simm.s32 $0x1BF5;
	[smem:$0x3FB7] =	sst s0  }
0x18: {  	s0 =	sld [smem:$0x3F9A];
	_ =	swait.ge [sflag:s4], $0x0  }
0x19: {  	s7 =	sld [smem:$0x3F9B]  }
0x1a: {  	s8 =	sadd.s32 $0xFFFFE003, lr  }
0x1b: {  	s9 =	sadd.s32 $0xFFFFFEF7, lr;
	s5 =	simm.s32 $0xFFFFFFFF;
	p2 =	slt.u32 s8, $0xFFFFF086  }
0x1c: {  	p1 =	slt.u32 s9, $0xF7A;
	s5 =	simm.s32 @!p2 $0x0  }
0x1d: {  	s5 =	simm.s32 @p1 $0x1;
	p0 =	seq.s32 s7, s2  }
0x1e: {  	s7 =	smul.u32 @!p0 $0xF7A, s2;
	p2 =	seq.s32 @!p0 s5, $0x0  }
0x1f: {  	s9 =	smul.u32 $0xF7A, s1;
	s8 =	simm.s32 @!p0 $0x1BF5;
	p2 =	por !p2, p0  }
0x20: {  	[sflag:s8] =	ssyncset.s32 @!p0 $0xFFFFF086;
	s6 =	sadd.s32 @!p0 s3, s7;
	s7 =	simm.s32 @!p0 $0x108  }
0x21: {  	s3 =	sadd.s32 s3, s9;
	s6 =	sadd.s32 @!p0 $0x88, s6;
	s7 =	simm.s32 @p2 $0x1082  }
0x22: {  	[simem:s7], [sflag:s8] =	dma.local @!p0 [hbm:s6], $0xF7A  }
0x23: {  	s9 =	sor.u32 $0xD0000000, s2;
	s6 =	simm.s32 $0x108;
	_ =	swait.ge @!p0 [sflag:s8], $0x0  }
0x24: {  	s3 =	sadd.s32 $0x88, s3;
	s6 =	simm.s32 @!p1 $0x1082;
	[sflag:s4] =	ssyncset.s32 $0xFFFFF086  }
0x25: {  	[simem:s6], [sflag:s4] =	dma.local [hbm:s3], $0xF7A  }
0x26: {  	[smem:$0x3F9B] =	sst s1;
	(tag) =	ssettag s2;
	_ =	strace s9  }
0x27: {  	s1 =	sld [smem:$0x3FAB]  }
0x28: {  	s2 =	sld [smem:$0x3FAC]  }
0x29: {  	s4 =	sld [smem:$0x3FAE]  }
0x2a: {  	p0 =	seq.s32 s5, $0x0;
	s5 =	sld [smem:$0x3FAF]  }
0x2b: {  	s6 =	sld [smem:$0x3FB0]  }
0x2c: {  	s7 =	sld [smem:$0x3FB1]  }
0x2d: {  	s3 =	simm.s32 $0x108;
	s8 =	sld [smem:$0x3FB2]  }
0x2e: {  	s3 =	simm.s32 @!p0 $0x1082;
	s9 =	sld [smem:$0x3FB3]  }
0x2f: {  	lr =	sadd.s32 s0, s3;
	s0 =	sld [smem:$0x3FAA]  }
0x30: {  	s3 =	sld [smem:$0x3FAD]  }
0x31: {  	[smem:$0x3FB6] =	sst s10  }
0x32: {  	s10 =	sld [smem:$0x3FB4];
	_ =	sdelay $0x3  }
0x33: {  	p0 =	seq.s32 s10, $0x1;
	s10 =	sld [smem:$0x3FB6];
	_ =	sdelay $0x3  }
0x34: {  	[smem:$0x3FB6] =	sst s10  }
0x35: {  	s10 =	sld [smem:$0x3FB5];
	_ =	sdelay $0x3  }
0x36: {  	p1 =	seq.s32 s10, $0x1;
	s10 =	sld [smem:$0x3FB6];
	_ =	sdelay $0x3  }
0x37: {  	[smem:$0x3FB6] =	sst s10  }
0x38: {  	s10 =	sld [smem:$0x3FB7]  }
0x39: {  	_ = 	snop;
	(pc) =	sbr.ind lr, $3  }
0x3a: {  	_ = 	snop  }
0x3b: {  	_ = 	snop  }
0x3c: {  	p2 =	seq.s32 s10, $0x1;
	s10 =	sld [smem:$0x3FB6]  }
0x3d: {  	_ =	shalt  }
0x3e: {  	_ =	shalt  }
0x3f: {  	_ =	shalt  }
0x40: {  	_ =	shalt  }
0x41: {  	_ =	shalt  }
0x42: {  	_ =	shalt  }
0x43: {  	_ =	shalt  }
0x44: {  	_ =	shalt  }
0x45: {  	_ =	shalt  }
0x46: {  	_ =	shalt  }
0x47: {  	_ =	shalt  }
0x48: {  	_ =	shalt  }
0x49: {  	_ =	shalt  }
0x4a: {  	_ =	shalt  }
0x4b: {  	_ =	shalt  }
0x4c: {  	_ =	shalt  }
0x4d: {  	_ =	shalt  }
0x4e: {  	_ =	shalt  }
0x4f: {  	_ =	shalt  }
0x50: {  	_ =	shalt  }
0x51: {  	_ =	shalt  }
0x52: {  	_ =	shalt  }
0x53: {  	_ =	shalt  }
0x54: {  	_ =	shalt  }
0x55: {  	_ =	shalt  }
0x56: {  	_ =	shalt  }
0x57: {  	_ =	shalt  }
0x58: {  	_ =	shalt  }
0x59: {  	_ =	shalt  }
0x5a: {  	_ =	shalt  }
0x5b: {  	_ =	shalt  }
0x5c: {  	_ =	shalt  }
0x5d: {  	_ =	shalt  }
0x5e: {  	_ =	shalt  }
0x5f: {  	_ =	shalt  }
0x60: {  	_ =	shalt  }
0x61: {  	_ =	shalt  }
0x62: {  	_ =	shalt  }
0x63: {  	_ =	shalt  }
0x64: {  	_ =	shalt  }
0x65: {  	_ =	shalt  }
0x66: {  	_ =	shalt  }
0x67: {  	_ =	shalt  }
0x68: {  	_ =	shalt  }
0x69: {  	_ =	shalt  }
0x6a: {  	_ =	shalt  }
0x6b: {  	_ =	shalt  }
0x6c: {  	_ =	shalt  }
0x6d: {  	_ =	shalt  }
0x6e: {  	_ =	shalt  }
0x6f: {  	_ =	shalt  }
0x70: {  	_ =	shalt  }
0x71: {  	_ =	shalt  }
0x72: {  	_ =	shalt  }
0x73: {  	_ =	shalt  }
0x74: {  	_ =	shalt  }
0x75: {  	_ =	shalt  }
0x76: {  	_ =	shalt  }
0x77: {  	_ =	shalt  }
0x78: {  	_ =	shalt  }
0x79: {  	_ =	shalt  }
0x7a: {  	_ =	shalt  }
0x7b: {  	_ =	shalt  }
0x7c: {  	_ =	shalt  }
0x7d: {  	_ =	shalt  }
0x7e: {  	_ =	shalt  }
0x7f: {  	_ =	shalt  }
0x80: {  	_ =	shalt  }
0x81: {  	_ =	shalt  }
0x82: {  	_ =	shalt  }
0x83: {  	_ =	shalt  }
0x84: {  	_ =	shalt  }
0x85: {  	_ =	shalt  }
0x86: {  	_ =	shalt  }
0x87: {  	_ =	shalt  }
.Lfunc_end0:
.L_simem_size_0:
called_computation.1_lowered:
.L_overlay_start_0:
0x88: {  	s2 =	sld [smem:$0x3FD9]  }
0x89: {  	s3 =	sld [smem:$0x3FFE];
	_ =	sdelay $0x1  }
0x8a: {  	s1 =	srdreg.scid  }
0x8b: {  	s0 =	sand.u32 $0x1, s1  }
0x8c: {  	s17 =	sshll.u32 s0, $0xA;
	s2 =	sadd.s32 s3, s2  }
0x8d: {  	s2 =	sadd.s32 s2, s17  }
0x8e: {  	[smem:$0x3FC2] =	sst s2  }
0x8f: {  	_ = 	snop  }
0x90: {  	s2 =	sld [smem:$0x3FD0];
	(tm) =	ssettm $0x1  }
0x91: {  	s18 =	sld [smem:$0x3FFB];
	_ =	sdelay $0x3  }
0x92: {  	_ =	strace s18  }
0x93: {  	s3 =	sld [smem:$0x3FFC];
	_ =	sdelay $0x3  }
0x94: {  	_ =	strace s3  }
0x95: {  	s3 =	sld [smem:$0x3FFD];
	_ =	sdelay $0x3  }
0x96: {  	_ =	strace s3  }
0x97: {  	_ =	strace $0x8FFFFFFF  }
0x98: {  	s19 =	sld [smem:$0x3FDB];
	_ =	sdelay $0x1  }
0x99: {  	s4 =	simm.s32 $_scs_section_size  }
0x9a: {  	s5 =	simm.s32 $_size__tile_overlayer_lowered;
	s6 =	simm.s32 $_tile_overlayer_lowered  }
0x9b: {  	s22 =	simm.s32 $0x1BFF;
	s21 =	sshll.u32 s6, $0x1;
	s3 =	sadd.s32 s4, s19  }
0x9c: {  	s7 =	simm.s32 $0x0;
	s20 =	sshll.u32 s5, $0x1;
	s5 =	sadd.s32 s21, s3  }
0x9d: {  	[timem:s7], [sflag:s22] =	dma.local [hbm:s5], s20  }
0x9e: {  	_ =	swait.ge [sflag:s22], s20  }
0x9f: {  	s4 =	ssub.s32 $0x0, s20;
	[sflag:s22] =	ssyncset.done $0x0  }
0xa0: {  	[sflag:s22] =	ssyncadd.s32 s4;
	_ =	sdelay $0x1  }
0xa1: {  	s23 =	simm.s32 $0x1B8B  }
0xa2: {  	_ =	swait.ge [sflag:s23], $0x1  }
0xa3: {  	[sflag:s23] =	ssyncset.done $0x0  }
0xa4: {  	s25 =	simm.s32 $0x1B8E;
	s24 =	sld [smem:$0x3FFE];
	[sflag:s23] =	ssyncadd.s32 $0xFFFFFFFF  }
0xa5: {  	s26 =	simm.s32 $execute0_lowered;
	[smem:$0x3FD2] =	sst s25  }
0xa6: {  	s5 =	sshll.u32 s26, $0x1;
	_ =	strace $0x80000049;
	[dreg:$0x1] =	wrdreg $0xFFFFFFFF  }
0xa7: {  	s28 =	simm.s32 $_size_execute0_lowered;
	s3 =	sadd.s32 s3, s5;
	[dreg:$0x0] =	wrdreg $0x0  }
0xa8: {  	s5 =	sshll.u32 s28, $0x1;
	[dreg:$0x2] =	wrdreg s3  }
0xa9: {  	[dreg:$0x3] =	wrdreg s5  }
0xaa: {  	[dreg:$0x4] =	wrdreg $0xC0  }
0xab: {  	_ =	task [dreg:s7], $0x5FFFF  }
0xac: {  	[dreg:$0x1] =	wrdreg $0xFFFFFFFF  }
0xad: {  	[dreg:$0x0] =	wrdreg $0x60  }
0xae: {  	[dreg:$0x2] =	wrdreg s2  }
0xaf: {  	[dreg:$0x3] =	wrdreg s24  }
0xb0: {  	[dreg:$0x4] =	wrdreg $0x9F000  }
0xb1: {  	[dreg:$0x5] =	wrdreg $0x9  }
0xb2: {  	_ =	task.clear_ibuf [dreg:s7], $0x6FFFF;
	_ =	strace $0x90000049  }
0xb3: {  	s29 =	simm.s32 $0x9;
	_ =	strace $0x8000004B  }
0xb4: {  	_ =	swait.ge [sflag:s29], $0x1  }
0xb5: {  	[sflag:s29] =	ssyncadd.s32 $0xFFFFFFFF  }
0xb6: {  	_ =	strace $0x9000004B  }
0xb7: {  	_ =	sfence  }
0xb8: {  	s30 =	sld [smem:$0x0];
	_ =	sdelay $0x2  }
0xb9: {  	s31 =	sshll.u32 s1, $0xD;
	s1 =	sshrl.u32 s1, $0x2  }
0xba: {  	s3 =	sand.u32 $0x4000, s31;
	s1 =	sadd.s32 s1, s30  }
0xbb: {  	s0 =	sor.u32 s3, s0;
	s1 =	sshll.u32 s1, $0x11  }
0xbc: {  	s0 =	sor.u32 s1, s0  }
0xbd: {  	s0 =	sadd.s32 $0x8F2B, s0  }
0xbe: {  	[sflag:s0] =	ssyncadd.remote.s32 $0x1  }
0xbf: {  	_ =	sfence.sel $0xFFFF  }
0xc0: {  	[dreg:$0x0] =	wrdreg $0xFFFFFFFF;
	(pc) =	sbr.abs _section_cstart, $3  }
0xc1: {  	[dreg:$0x1] =	wrdreg $0xFFFFFFFF  }
0xc2: {  	_ =	task.clear_ibuf [dreg:s7], $0x2FFFF;
	_ =	strace $0x9FFFFFFF  }
0xc3: {  	(tm) =	ssettm $0x7FFFFFFF  }
tec
execute0_lowered:
.L_overlay_start_1:
0x0: {  	(tag) =	ssettag $0x1  }
0x1: {  	s2 =	rddreg [dreg:$0x0]  }
0x2: {  	s0 =	srdreg.scid;
	s6 =	rddreg [dreg:$0x1]  }
0x3: {  	s3 =	rddreg [dreg:$0x2];
	s4 =	simm.s32 $0x0;
	s17 =	simm.s32 $0x4F00  }
0x4: {  	s18 =	simm.s32 $0x3;
	s19 =	simm.s32 $0x2780;
	s20 =	simm.s32 $0x50  }
0x5: {  	s21 =	simm.s32 $0x7700;
	s22 =	simm.s32 $0x1;
	s5 =	sand.u32 $0x1, s0  }
0x6: {  	s23 =	simm.s32 $0x2;
	s0 =	stileid.u32;
	s8 =	smul.u32 $0x13C000, s5  }
0x7: {  	s24 =	simm.s32 $0x4E40;
	s1 =	sshll.u32 s5, $0x4;
	s9 =	smul.u32 $0x13C00, s0  }
0x8: {  	s10 =	smul.u32 $0x4F000, s0;
	s29 =	ssub.s32 $0x2, s5;
	s1 =	sor.u32 s0, s1  }
0x9: {  	[smem:$0x7FF] =	sst s4;
	s31 =	sshrl.u32 s29, $0x1;
	s7 =	smul.u32 $0x2710, s1  }
0xa: {  	s1 =	rddreg [dreg:$0x3];
	_ =	strace $0x8000004A;
	s30 =	sshrl.u32 s10, $0x2  }
0xb: {  	s28 =	sadd.s32 s9, s8;
	s16 =	ssub.s32 s29, s31;
	s5 =	sadd.s32 s30, s3  }
0xc: {  	s16 =	smax.u32 s16, $0x1;
	s7 =	sshrl.u32 s7, $0x3;
	s8 =	sadd.s32 $0x7800, s5  }
0xd: {  	s9 =	sadd.s32 $0xA000, s5;
	s10 =	sadd.s32 $0xC800, s5;
	s11 =	sadd.s32 $0xF000, s5  }
0xe: {  	s12 =	sadd.s32 $0x11800, s5;
	s14 =	sadd.s32 s7, s6;
	s7 =	sshrl.u32 s28, $0x3  }
0xf: {  	s15 =	sadd.s32 s7, s6;
	s6 =	sadd.s32 $0x2800, s5;
	s7 =	sadd.s32 $0x5000, s5  }
0x10: {  	v0 =	vimm.f32 $0.0e+00;
	s13 =	sadd.s32 $0x2800, s14;
	s14 =	sadd.s32 $0xC440, s14;
	s15 =	sadd.s32 $0x16200, s15  }
.LBB2_1:
0x11: {  	s25 =	simm.s32 $0x0;
	s26 =	simm.s32 $0x200  }
.LBB2_2:
0x12: {  	p0 =	sne.s32 s26, $0x9E00;
	[tilespmem:s25+$0x4F70] =	vst v0  }
0x13: {  	[tilespmem:s25+$0x4F00] =	vst v0  }
0x14: {  	[tilespmem:s25+$0x4F10] =	vst v0  }
.Ltmp0:
0x15: {  	[tilespmem:s25+$0x4F20] =	vst v0;
	(pc) =	sbr.rel @p0 .LBB2_2-.Ltmp0, $4  }
0x16: {  	[tilespmem:s25+$0x4F30] =	vst v0  }
0x17: {  	[tilespmem:s25+$0x4F40] =	vst v0  }
0x18: {  	[tilespmem:s25+$0x4F50] =	vst v0  }
0x19: {  	[tilespmem:s25+$0x4F60] =	vst v0;
	s25 =	sshra.s32 s26, $0x2;
	s26 =	sadd.s32 $0x200, s26  }
0x1a: {  	[tilespmem:s25+$0x4F70] =	vst v0  }
0x1b: {  	[tilespmem:s25+$0x4F00] =	vst v0  }
0x1c: {  	[tilespmem:s25+$0x4F10] =	vst v0  }
0x1d: {  	[tilespmem:s25+$0x4F20] =	vst v0  }
0x1e: {  	[tilespmem:s25+$0x4F30] =	vst v0  }
0x1f: {  	[tilespmem:s25+$0x4F40] =	vst v0  }
0x20: {  	[tilespmem:s25+$0x4F50] =	vst v0  }
0x21: {  	[tilespmem:s25+$0x4F60] =	vst v0  }
0x22: {  	[spmem:s5] =	stream.linear.scatter [tilespmem:s17], [sflag:$0x3], $0x2800, $0x38;
	[tilespmem:$0x1DB00] =	vst v63  }
0x23: {  	_ =	swait.ge [sflag:s18], $0x2800  }
0x24: {  	[sflag:s18] =	ssyncset.done $0x0  }
0x25: {  	[sflag:s18] =	ssyncadd.s32 $0xFFFFD800  }
0x26: {  	[spmem:s6] =	stream.linear.scatter [tilespmem:s17], [sflag:$0x3], $0x2800, $0x38;
	[tilespmem:$0x1DB00] =	vst v63  }
0x27: {  	_ =	swait.ge [sflag:s18], $0x2800  }
0x28: {  	[sflag:s18] =	ssyncset.done $0x0  }
0x29: {  	[sflag:s18] =	ssyncadd.s32 $0xFFFFD800  }
0x2a: {  	[spmem:s7] =	stream.linear.scatter [tilespmem:s17], [sflag:$0x3], $0x2800, $0x38;
	[tilespmem:$0x1DB00] =	vst v63  }
0x2b: {  	_ =	swait.ge [sflag:s18], $0x2800  }
0x2c: {  	[sflag:s18] =	ssyncset.done $0x0  }
0x2d: {  	[sflag:s18] =	ssyncadd.s32 $0xFFFFD800  }
0x2e: {  	[spmem:s8] =	stream.linear.scatter [tilespmem:s17], [sflag:$0x3], $0x2800, $0x38;
	[tilespmem:$0x1DB00] =	vst v63  }
0x2f: {  	_ =	swait.ge [sflag:s18], $0x2800  }
0x30: {  	[sflag:s18] =	ssyncset.done $0x0  }
0x31: {  	[sflag:s18] =	ssyncadd.s32 $0xFFFFD800  }
0x32: {  	[spmem:s9] =	stream.linear.scatter [tilespmem:s17], [sflag:$0x3], $0x2800, $0x38;
	[tilespmem:$0x1DB00] =	vst v63  }
0x33: {  	_ =	swait.ge [sflag:s18], $0x2800  }
0x34: {  	[sflag:s18] =	ssyncset.done $0x0  }
0x35: {  	[sflag:s18] =	ssyncadd.s32 $0xFFFFD800  }
0x36: {  	[spmem:s10] =	stream.linear.scatter [tilespmem:s17], [sflag:$0x3], $0x2800, $0x38;
	[tilespmem:$0x1DB00] =	vst v63  }
0x37: {  	_ =	swait.ge [sflag:s18], $0x2800  }
0x38: {  	[sflag:s18] =	ssyncset.done $0x0  }
0x39: {  	[sflag:s18] =	ssyncadd.s32 $0xFFFFD800  }
0x3a: {  	[spmem:s11] =	stream.linear.scatter [tilespmem:s17], [sflag:$0x3], $0x2800, $0x38;
	[tilespmem:$0x1DB00] =	vst v63  }
0x3b: {  	_ =	swait.ge [sflag:s18], $0x2800  }
0x3c: {  	[sflag:s18] =	ssyncset.done $0x0  }
0x3d: {  	[sflag:s18] =	ssyncadd.s32 $0xFFFFD800  }
0x3e: {  	[spmem:s12] =	stream.linear.scatter [tilespmem:s17], [sflag:$0x3], $0x2400, $0x38;
	[tilespmem:$0x1DB00] =	vst v63  }
0x3f: {  	_ =	swait.ge [sflag:s18], $0x2400  }
0x40: {  	[sflag:s18] =	ssyncset.done $0x0  }
0x41: {  	[sflag:s18] =	ssyncadd.s32 $0xFFFFDC00  }
0x42: {  	s26 =	simm.s32 $0x0;
	[bflag:$0x0] =	sbarrier.arrive $0xFFFF  }
0x43: {  	[tilespmem:s26], [sflag:$0x3] =	stream.linear.gather [hbm4b:s13+s26], $0x2710, $0x38;
	[tilespmem:$0x1DB00] =	vst v63  }
0x44: {  	_ =	swait.ge [sflag:s18], $0x2710  }
0x45: {  	[sflag:s18] =	ssyncset.done $0x0  }
0x46: {  	[sflag:s18] =	ssyncadd.s32 $0xFFFFD8F0  }
0x47: {  	[tilespmem:s19], [sflag:$0x3] =	stream.linear.gather [hbm4b:s14+s26], $0x2710, $0x38;
	[tilespmem:$0x1DB00] =	vst v63  }
0x48: {  	_ =	swait.ge [sflag:s18], $0x2710  }
0x49: {  	[sflag:s18] =	ssyncset.done $0x0  }
0x4a: {  	[sflag:s18] =	ssyncadd.s32 $0xFFFFD8F0  }
0x4b: {  	[tilespmem:s17], [sflag:$0x1] =	stream.indirect.gather [hbm4b:s2+s20], $0x80, s26, s20, $0xb8;
	[tilespmem:$0x1DB00] =	vst v63  }
0x4c: {  	s28 =	simm.s32 $0x50  }
0x4d: {  	[tilespmem:s21], [sflag:$0x2] =	stream.indirect.gather [hbm4b:s2+s20], $0x80, s28, s20, $0xb8;
	[tilespmem:$0x1DB00] =	vst v63  }
0x4e: {  	_ =	swait.ge [sflag:s22], $0x2800  }
0x4f: {  	[sflag:s22] =	ssyncset.done $0x0  }
0x50: {  	s29 =	simm.s32 $0x2780;
	[sflag:s22] =	ssyncadd.s32 $0xFFFFD800  }
0x51: {  	[spmem:s3] =	stream.indirect.scatter.add.f32 [tilespmem:s17], [sflag:$0x3], $0x80, s29, s20, $0xb8;
	[tilespmem:$0x1DB00] =	vst v63  }
0x52: {  	_ =	swait.ge [sflag:s18], $0x2800  }
0x53: {  	[sflag:s18] =	ssyncset.done $0x0  }
0x54: {  	s30 =	simm.s32 $0xA0;
	[sflag:s18] =	ssyncadd.s32 $0xFFFFD800  }
0x55: {  	[tilespmem:s17], [sflag:$0x1] =	stream.indirect.gather [hbm4b:s2+s20], $0x80, s30, s20, $0xb8;
	[tilespmem:$0x1DB00] =	vst v63  }
0x56: {  	_ =	swait.ge [sflag:s23], $0x2800  }
0x57: {  	[sflag:s23] =	ssyncset.done $0x0  }
0x58: {  	s31 =	simm.s32 $0x27D0;
	[sflag:s23] =	ssyncadd.s32 $0xFFFFD800  }
0x59: {  	[spmem:s3] =	stream.indirect.scatter.add.f32 [tilespmem:s21], [sflag:$0x3], $0x80, s31, s20, $0xb8;
	[tilespmem:$0x1DB00] =	vst v63  }
0x5a: {  	_ =	swait.ge [sflag:s18], $0x2800  }
0x5b: {  	s25 =	simm.s32 $0xA0;
	s26 =	simm.s32 $0x500;
	[sflag:s18] =	ssyncset.done $0x0  }
.LBB2_4:
0x5c: {  	s28 =	sadd.s32 $0x50, s25  }
0x5d: {  	[sflag:s18] =	ssyncadd.s32 $0xFFFFD800;
	s29 =	smov.u32 s26;
	s30 =	sadd.s32 $0x280, s26  }
0x5e: {  	[tilespmem:s21], [sflag:$0x2] =	stream.indirect.gather [hbm4b:s2+s20], $0x80, s28, s20, $0xb8;
	[tilespmem:$0x1DB00] =	vst v63  }
0x5f: {  	p0 =	sne.s32 s26, $0x9880;
	_ =	swait.ge [sflag:s22], $0x2800  }
0x60: {  	[sflag:s22] =	ssyncset.done $0x0  }
0x61: {  	s26 =	sadd.s32 $0x2780, s25;
	[sflag:s22] =	ssyncadd.s32 $0xFFFFD800  }
0x62: {  	[spmem:s3] =	stream.indirect.scatter.add.f32 [tilespmem:s17], [sflag:$0x3], $0x80, s26, s20, $0xb8;
	[tilespmem:$0x1DB00] =	vst v63  }
0x63: {  	_ =	swait.ge [sflag:s18], $0x2800  }
0x64: {  	[sflag:s18] =	ssyncset.done $0x0  }
0x65: {  	s26 =	sadd.s32 $0xA0, s25;
	[sflag:s18] =	ssyncadd.s32 $0xFFFFD800  }
0x66: {  	[tilespmem:s17], [sflag:$0x1] =	stream.indirect.gather [hbm4b:s2+s20], $0x80, s26, s20, $0xb8;
	[tilespmem:$0x1DB00] =	vst v63  }
0x67: {  	_ =	swait.ge [sflag:s23], $0x2800  }
.Ltmp1:
0x68: {  	[sflag:s23] =	ssyncset.done $0x0;
	(pc) =	sbr.rel @p0 .LBB2_4-.Ltmp1, $4  }
0x69: {  	s25 =	sadd.s32 $0x27D0, s25;
	[sflag:s23] =	ssyncadd.s32 $0xFFFFD800  }
0x6a: {  	[spmem:s3] =	stream.indirect.scatter.add.f32 [tilespmem:s21], [sflag:$0x3], $0x80, s25, s20, $0xb8;
	[tilespmem:$0x1DB00] =	vst v63  }
0x6b: {  	_ =	swait.ge [sflag:s18], $0x2800  }
0x6c: {  	s26 =	smov.u32 s30;
	s25 =	sshra.s32 s29, $0x2;
	[sflag:s18] =	ssyncset.done $0x0  }
0x6d: {  	s26 =	sadd.s32 $0x50, s25;
	[sflag:s18] =	ssyncadd.s32 $0xFFFFD800  }
0x6e: {  	[tilespmem:s21], [sflag:$0x2] =	stream.indirect.gather [hbm4b:s2+s20], $0x80, s26, s20, $0xb8;
	[tilespmem:$0x1DB00] =	vst v63  }
0x6f: {  	_ =	swait.ge [sflag:s22], $0x2800  }
0x70: {  	[sflag:s22] =	ssyncset.done $0x0  }
0x71: {  	s31 =	sadd.s32 $0x2780, s25;
	[sflag:s22] =	ssyncadd.s32 $0xFFFFD800  }
0x72: {  	[spmem:s3] =	stream.indirect.scatter.add.f32 [tilespmem:s17], [sflag:$0x3], $0x80, s31, s20, $0xb8;
	[tilespmem:$0x1DB00] =	vst v63  }
0x73: {  	_ =	swait.ge [sflag:s18], $0x2800  }
0x74: {  	[sflag:s18] =	ssyncset.done $0x0  }
0x75: {  	s28 =	sadd.s32 $0xA0, s25;
	[sflag:s18] =	ssyncadd.s32 $0xFFFFD800  }
0x76: {  	[tilespmem:s17], [sflag:$0x1] =	stream.indirect.gather [hbm4b:s2+s20], $0x80, s28, s20, $0xb8;
	[tilespmem:$0x1DB00] =	vst v63  }
0x77: {  	_ =	swait.ge [sflag:s23], $0x2800  }
0x78: {  	[sflag:s23] =	ssyncset.done $0x0  }
0x79: {  	s29 =	sadd.s32 $0x27D0, s25;
	[sflag:s23] =	ssyncadd.s32 $0xFFFFD800  }
0x7a: {  	[spmem:s3] =	stream.indirect.scatter.add.f32 [tilespmem:s21], [sflag:$0x3], $0x80, s29, s20, $0xb8;
	[tilespmem:$0x1DB00] =	vst v63  }
0x7b: {  	_ =	swait.ge [sflag:s18], $0x2800  }
0x7c: {  	[sflag:s18] =	ssyncset.done $0x0  }
0x7d: {  	[sflag:s18] =	ssyncadd.s32 $0xFFFFD800  }
0x7e: {  	_ =	swait.ge [sflag:s22], $0x2800  }
0x7f: {  	[sflag:s22] =	ssyncset.done $0x0  }
0x80: {  	[sflag:s22] =	ssyncadd.s32 $0xFFFFD800  }
0x81: {  	[spmem:s3] =	stream.indirect.scatter.add.f32 [tilespmem:s17], [sflag:$0x3], $0x80, s24, s20, $0xb8;
	[tilespmem:$0x1DB00] =	vst v63  }
0x82: {  	_ =	swait.ge [sflag:s18], $0x2800  }
0x83: {  	s30 =	sshll.u32 s0, $0x6;
	s4 =	sadd.s32 $0x1, s4;
	[sflag:s18] =	ssyncset.done $0x0  }
0x84: {  	s25 =	sor.u32 $0x1C03, s30;
	p0 =	sne.s32 s4, s16;
	[sflag:s18] =	ssyncadd.s32 $0xFFFFD800  }
.Ltmp2:
0x85: {  	s31 =	sshrl.u32 s5, $0x3;
	[bflag:$0x0] =	sbarrier.arrive $0xFFFF;
	(pc) =	sbr.rel @p0 .LBB2_1-.Ltmp2, $4  }
0x86: {  	[hbm:s15], [sflag:s25] =	dma.local [spmem:s31], $0x2780  }
0x87: {  	_ =	swait.ge [sflag:s18], $0x2780  }
0x88: {  	[sflag:s18] =	ssyncset.done $0x0  }
0x89: {  	[sflag:s18] =	ssyncadd.s32 $0xFFFFD880  }
0x8a: {  	_ =	sfence.sel $0x180000  }
0x8b: {  	[bflag:$0x0] =	sbarrier.arrive $0xFFFF  }
0x8c: {  	p0 =	sne.s32 s0, $0x0;
	_ =	strace $0x9000004A  }
0x8d: {  	s0 =	sadd.s32 @!p0 $0x100000, s1;
	[bflag:$0x2] =	sbarrier.arrive $0xFFFF  }
0x8e: {  	[sflag:s0] =	ssyncadd.tile.s32 @!p0 $0x1;
	_ =	shalt  }
.Lfunc_end2:
_tile_overlayer_lowered:
.L_overlay_start_2:
0x8f: {  	(tag) =	ssettag $0x2  }
0x90: {  	s0 =	rddreg [dreg:$0x0];
	s2 =	stileid.u32  }
0x91: {  	s1 =	rddreg [dreg:$0x1];
	p0 =	sne.s32 s2, $0x0  }
0x92: {  	s3 =	rddreg [dreg:$0x2];
	[bflag:$0x3] =	sbarrier.arrive $0xFFFF;
	s2 =	simm.s32 @!p0 $0x1C03  }
0x93: {  	[timem:s3], [sflag:s2] =	dma.local @!p0 [hbm:s0], s1  }
0x94: {  	s0 =	simm.s32 @!p0 $0x3  }
0x95: {  	_ =	swait.ge @!p0 [sflag:s0], s1  }
0x96: {  	s1 =	ssub.s32 @!p0 $0x0, s1;
	[sflag:s0] =	ssyncset.done @!p0 $0x0  }
0x97: {  	[sflag:s0] =	ssyncadd.s32 @!p0 s1  }
0x98: {  	[bflag:$0x3] =	sbarrier.arrive $0xFFFF  }
0x99: {  	_ =	shalt  }

// kernel: kernel.14.cloned.1.call-start
scs
__scs_entry_jumppad:
0x0: {  	(pc) =	sbr.rel $0x88, $3  }
0x1: {  	(tag) =	ssettag $0x0;
	lr =	simm.s32 $0x1  }
0x2: {  	[smem:$0x3F9B] =	sst lr;
	_ =	strace $0xD0000000  }
0x3: {  	_ = 	snop  }
0x4: {  	_ = 	snop  }
0x5: {  	_ = 	snop  }
0x6: {  	_ = 	snop  }
0x7: {  	_ = 	snop  }
__scs_overlays_trampoline_lowered:
0x8: {  	[smem:$0x3FAA] =	sst s0  }
0x9: {  	[smem:$0x3FAB] =	sst s1  }
0xa: {  	[smem:$0x3FAC] =	sst s2  }
0xb: {  	[smem:$0x3FAD] =	sst s3  }
0xc: {  	[smem:$0x3FAE] =	sst s4  }
0xd: {  	[smem:$0x3FAF] =	sst s5  }
0xe: {  	[smem:$0x3FB0] =	sst s6  }
0xf: {  	[smem:$0x3FB1] =	sst s7  }
0x10: {  	[smem:$0x3FB2] =	sst s8  }
0x11: {  	[smem:$0x3FB3] =	sst s9;
	s0 =	simm.s32 @!p0 $0x0  }
0x12: {  	s1 =	sld [smem:$0x3F99];
	s0 =	simm.s32 @p0 $0x1  }
0x13: {  	[smem:$0x3FB4] =	sst s0;
	s0 =	simm.s32 @!p1 $0x0  }
0x14: {  	s2 =	sld [smem:$0x3F98];
	s0 =	simm.s32 @p1 $0x1  }
0x15: {  	[smem:$0x3FB5] =	sst s0;
	s0 =	simm.s32 @!p2 $0x0  }
0x16: {  	s3 =	sld [smem:$0x3FDB];
	s0 =	simm.s32 @p2 $0x1  }
0x17: {  	s4 =	simm.s32 $0x1BF5;
	[smem:$0x3FB7] =	sst s0  }
0x18: {  	s0 =	sld [smem:$0x3F9A];
	_ =	swait.ge [sflag:s4], $0x0  }
0x19: {  	s7 =	sld [smem:$0x3F9B]  }
0x1a: {  	s8 =	sadd.s32 $0xFFFFE003, lr  }
0x1b: {  	s9 =	sadd.s32 $0xFFFFFEF7, lr;
	s5 =	simm.s32 $0xFFFFFFFF;
	p2 =	slt.u32 s8, $0xFFFFF086  }
0x1c: {  	p1 =	slt.u32 s9, $0xF7A;
	s5 =	simm.s32 @!p2 $0x0  }
0x1d: {  	s5 =	simm.s32 @p1 $0x1;
	p0 =	seq.s32 s7, s2  }
0x1e: {  	s7 =	smul.u32 @!p0 $0xF7A, s2;
	p2 =	seq.s32 @!p0 s5, $0x0  }
0x1f: {  	s9 =	smul.u32 $0xF7A, s1;
	s8 =	simm.s32 @!p0 $0x1BF5;
	p2 =	por !p2, p0  }
0x20: {  	[sflag:s8] =	ssyncset.s32 @!p0 $0xFFFFF086;
	s6 =	sadd.s32 @!p0 s3, s7;
	s7 =	simm.s32 @!p0 $0x108  }
0x21: {  	s3 =	sadd.s32 s3, s9;
	s6 =	sadd.s32 @!p0 $0x88, s6;
	s7 =	simm.s32 @p2 $0x1082  }
0x22: {  	[simem:s7], [sflag:s8] =	dma.local @!p0 [hbm:s6], $0xF7A  }
0x23: {  	s9 =	sor.u32 $0xD0000000, s2;
	s6 =	simm.s32 $0x108;
	_ =	swait.ge @!p0 [sflag:s8], $0x0  }
0x24: {  	s3 =	sadd.s32 $0x88, s3;
	s6 =	simm.s32 @!p1 $0x1082;
	[sflag:s4] =	ssyncset.s32 $0xFFFFF086  }
0x25: {  	[simem:s6], [sflag:s4] =	dma.local [hbm:s3], $0xF7A  }
0x26: {  	[smem:$0x3F9B] =	sst s1;
	(tag) =	ssettag s2;
	_ =	strace s9  }
0x27: {  	s1 =	sld [smem:$0x3FAB]  }
0x28: {  	s2 =	sld [smem:$0x3FAC]  }
0x29: {  	s4 =	sld [smem:$0x3FAE]  }
0x2a: {  	p0 =	seq.s32 s5, $0x0;
	s5 =	sld [smem:$0x3FAF]  }
0x2b: {  	s6 =	sld [smem:$0x3FB0]  }
0x2c: {  	s7 =	sld [smem:$0x3FB1]  }
0x2d: {  	s3 =	simm.s32 $0x108;
	s8 =	sld [smem:$0x3FB2]  }
0x2e: {  	s3 =	simm.s32 @!p0 $0x1082;
	s9 =	sld [smem:$0x3FB3]  }
0x2f: {  	lr =	sadd.s32 s0, s3;
	s0 =	sld [smem:$0x3FAA]  }
0x30: {  	s3 =	sld [smem:$0x3FAD]  }
0x31: {  	[smem:$0x3FB6] =	sst s10  }
0x32: {  	s10 =	sld [smem:$0x3FB4];
	_ =	sdelay $0x3  }
0x33: {  	p0 =	seq.s32 s10, $0x1;
	s10 =	sld [smem:$0x3FB6];
	_ =	sdelay $0x3  }
0x34: {  	[smem:$0x3FB6] =	sst s10  }
0x35: {  	s10 =	sld [smem:$0x3FB5];
	_ =	sdelay $0x3  }
0x36: {  	p1 =	seq.s32 s10, $0x1;
	s10 =	sld [smem:$0x3FB6];
	_ =	sdelay $0x3  }
0x37: {  	[smem:$0x3FB6] =	sst s10  }
0x38: {  	s10 =	sld [smem:$0x3FB7]  }
0x39: {  	_ = 	snop;
	(pc) =	sbr.ind lr, $3  }
0x3a: {  	_ = 	snop  }
0x3b: {  	_ = 	snop  }
0x3c: {  	p2 =	seq.s32 s10, $0x1;
	s10 =	sld [smem:$0x3FB6]  }
0x3d: {  	_ =	shalt  }
0x3e: {  	_ =	shalt  }
0x3f: {  	_ =	shalt  }
0x40: {  	_ =	shalt  }
0x41: {  	_ =	shalt  }
0x42: {  	_ =	shalt  }
0x43: {  	_ =	shalt  }
0x44: {  	_ =	shalt  }
0x45: {  	_ =	shalt  }
0x46: {  	_ =	shalt  }
0x47: {  	_ =	shalt  }
0x48: {  	_ =	shalt  }
0x49: {  	_ =	shalt  }
0x4a: {  	_ =	shalt  }
0x4b: {  	_ =	shalt  }
0x4c: {  	_ =	shalt  }
0x4d: {  	_ =	shalt  }
0x4e: {  	_ =	shalt  }
0x4f: {  	_ =	shalt  }
0x50: {  	_ =	shalt  }
0x51: {  	_ =	shalt  }
0x52: {  	_ =	shalt  }
0x53: {  	_ =	shalt  }
0x54: {  	_ =	shalt  }
0x55: {  	_ =	shalt  }
0x56: {  	_ =	shalt  }
0x57: {  	_ =	shalt  }
0x58: {  	_ =	shalt  }
0x59: {  	_ =	shalt  }
0x5a: {  	_ =	shalt  }
0x5b: {  	_ =	shalt  }
0x5c: {  	_ =	shalt  }
0x5d: {  	_ =	shalt  }
0x5e: {  	_ =	shalt  }
0x5f: {  	_ =	shalt  }
0x60: {  	_ =	shalt  }
0x61: {  	_ =	shalt  }
0x62: {  	_ =	shalt  }
0x63: {  	_ =	shalt  }
0x64: {  	_ =	shalt  }
0x65: {  	_ =	shalt  }
0x66: {  	_ =	shalt  }
0x67: {  	_ =	shalt  }
0x68: {  	_ =	shalt  }
0x69: {  	_ =	shalt  }
0x6a: {  	_ =	shalt  }
0x6b: {  	_ =	shalt  }
0x6c: {  	_ =	shalt  }
0x6d: {  	_ =	shalt  }
0x6e: {  	_ =	shalt  }
0x6f: {  	_ =	shalt  }
0x70: {  	_ =	shalt  }
0x71: {  	_ =	shalt  }
0x72: {  	_ =	shalt  }
0x73: {  	_ =	shalt  }
0x74: {  	_ =	shalt  }
0x75: {  	_ =	shalt  }
0x76: {  	_ =	shalt  }
0x77: {  	_ =	shalt  }
0x78: {  	_ =	shalt  }
0x79: {  	_ =	shalt  }
0x7a: {  	_ =	shalt  }
0x7b: {  	_ =	shalt  }
0x7c: {  	_ =	shalt  }
0x7d: {  	_ =	shalt  }
0x7e: {  	_ =	shalt  }
0x7f: {  	_ =	shalt  }
0x80: {  	_ =	shalt  }
0x81: {  	_ =	shalt  }
0x82: {  	_ =	shalt  }
0x83: {  	_ =	shalt  }
0x84: {  	_ =	shalt  }
0x85: {  	_ =	shalt  }
0x86: {  	_ =	shalt  }
0x87: {  	_ =	shalt  }
.Lfunc_end0:
.L_simem_size_0:
called_computation.2_lowered:
.L_overlay_start_0:
0x88: {  	s2 =	sld [smem:$0x3FD9]  }
0x89: {  	s3 =	sld [smem:$0x3FFE];
	_ =	sdelay $0x1  }
0x8a: {  	s1 =	srdreg.scid  }
0x8b: {  	s0 =	sand.u32 $0x1, s1  }
0x8c: {  	s17 =	sshll.u32 s0, $0xA;
	s2 =	sadd.s32 s3, s2  }
0x8d: {  	s2 =	sadd.s32 s2, s17  }
0x8e: {  	[smem:$0x3FC2] =	sst s2  }
0x8f: {  	_ = 	snop  }
0x90: {  	s2 =	sld [smem:$0x3FD0];
	(tm) =	ssettm $0x1  }
0x91: {  	s18 =	sld [smem:$0x3FFB];
	_ =	sdelay $0x3  }
0x92: {  	_ =	strace s18  }
0x93: {  	s3 =	sld [smem:$0x3FFC];
	_ =	sdelay $0x3  }
0x94: {  	_ =	strace s3  }
0x95: {  	s3 =	sld [smem:$0x3FFD];
	_ =	sdelay $0x3  }
0x96: {  	_ =	strace s3  }
0x97: {  	_ =	strace $0x8FFFFFFF  }
0x98: {  	s19 =	sld [smem:$0x3FDB];
	_ =	sdelay $0x1  }
0x99: {  	s4 =	simm.s32 $_scs_section_size  }
0x9a: {  	s5 =	simm.s32 $_size__tile_overlayer_lowered;
	s6 =	simm.s32 $_tile_overlayer_lowered  }
0x9b: {  	s22 =	simm.s32 $0x1BFF;
	s21 =	sshll.u32 s6, $0x1;
	s3 =	sadd.s32 s4, s19  }
0x9c: {  	s7 =	simm.s32 $0x0;
	s20 =	sshll.u32 s5, $0x1;
	s5 =	sadd.s32 s21, s3  }
0x9d: {  	[timem:s7], [sflag:s22] =	dma.local [hbm:s5], s20  }
0x9e: {  	_ =	swait.ge [sflag:s22], s20  }
0x9f: {  	s4 =	ssub.s32 $0x0, s20;
	[sflag:s22] =	ssyncset.done $0x0  }
0xa0: {  	[sflag:s22] =	ssyncadd.s32 s4;
	_ =	sdelay $0x1  }
0xa1: {  	s23 =	simm.s32 $0x1B8B  }
0xa2: {  	_ =	swait.ge [sflag:s23], $0x1  }
0xa3: {  	[sflag:s23] =	ssyncset.done $0x0  }
0xa4: {  	s25 =	simm.s32 $0x1B8E;
	s24 =	sld [smem:$0x3FFE];
	[sflag:s23] =	ssyncadd.s32 $0xFFFFFFFF  }
0xa5: {  	s26 =	simm.s32 $execute0_lowered;
	[smem:$0x3FD2] =	sst s25  }
0xa6: {  	s5 =	sshll.u32 s26, $0x1;
	_ =	strace $0x8000004C;
	[dreg:$0x1] =	wrdreg $0xFFFFFFFF  }
0xa7: {  	s28 =	simm.s32 $_size_execute0_lowered;
	s3 =	sadd.s32 s3, s5;
	[dreg:$0x0] =	wrdreg $0x0  }
0xa8: {  	s5 =	sshll.u32 s28, $0x1;
	[dreg:$0x2] =	wrdreg s3  }
0xa9: {  	[dreg:$0x3] =	wrdreg s5  }
0xaa: {  	[dreg:$0x4] =	wrdreg $0xC0  }
0xab: {  	_ =	task [dreg:s7], $0x5FFFF  }
0xac: {  	[dreg:$0x1] =	wrdreg $0xFFFFFFFF  }
0xad: {  	[dreg:$0x0] =	wrdreg $0x60  }
0xae: {  	[dreg:$0x2] =	wrdreg s2  }
0xaf: {  	[dreg:$0x3] =	wrdreg s24  }
0xb0: {  	[dreg:$0x4] =	wrdreg $0x9F000  }
0xb1: {  	[dreg:$0x5] =	wrdreg $0x9  }
0xb2: {  	_ =	task.clear_ibuf [dreg:s7], $0x6FFFF;
	_ =	strace $0x9000004C  }
0xb3: {  	s29 =	simm.s32 $0x9;
	_ =	strace $0x8000004E  }
0xb4: {  	_ =	swait.ge [sflag:s29], $0x1  }
0xb5: {  	[sflag:s29] =	ssyncadd.s32 $0xFFFFFFFF  }
0xb6: {  	_ =	strace $0x9000004E  }
0xb7: {  	_ =	sfence  }
0xb8: {  	s30 =	sld [smem:$0x0];
	_ =	sdelay $0x2  }
0xb9: {  	s31 =	sshll.u32 s1, $0xD;
	s1 =	sshrl.u32 s1, $0x2  }
0xba: {  	s3 =	sand.u32 $0x4000, s31;
	s1 =	sadd.s32 s1, s30  }
0xbb: {  	s0 =	sor.u32 s3, s0;
	s1 =	sshll.u32 s1, $0x11  }
0xbc: {  	s0 =	sor.u32 s1, s0  }
0xbd: {  	s0 =	sadd.s32 $0x8F2B, s0  }
0xbe: {  	[sflag:s0] =	ssyncadd.remote.s32 $0x1  }
0xbf: {  	_ =	sfence.sel $0xFFFF  }
0xc0: {  	[dreg:$0x0] =	wrdreg $0xFFFFFFFF;
	(pc) =	sbr.abs _section_cstart, $3  }
0xc1: {  	[dreg:$0x1] =	wrdreg $0xFFFFFFFF  }
0xc2: {  	_ =	task.clear_ibuf [dreg:s7], $0x2FFFF;
	_ =	strace $0x9FFFFFFF  }
0xc3: {  	(tm) =	ssettm $0x7FFFFFFF  }
tec
execute0_lowered:
.L_overlay_start_1:
0x0: {  	(tag) =	ssettag $0x1  }
0x1: {  	s2 =	rddreg [dreg:$0x0]  }
0x2: {  	s0 =	srdreg.scid;
	s6 =	rddreg [dreg:$0x1]  }
0x3: {  	s3 =	rddreg [dreg:$0x2];
	s4 =	simm.s32 $0x0;
	s17 =	simm.s32 $0x4F00  }
0x4: {  	s18 =	simm.s32 $0x3;
	s19 =	simm.s32 $0x2780;
	s20 =	simm.s32 $0x50  }
0x5: {  	s21 =	simm.s32 $0x7700;
	s22 =	simm.s32 $0x1;
	s5 =	sand.u32 $0x1, s0  }
0x6: {  	s23 =	simm.s32 $0x2;
	s0 =	stileid.u32;
	s8 =	smul.u32 $0x13C000, s5  }
0x7: {  	s24 =	simm.s32 $0x4E40;
	s1 =	sshll.u32 s5, $0x4;
	s9 =	smul.u32 $0x13C00, s0  }
0x8: {  	s10 =	smul.u32 $0x4F000, s0;
	s29 =	ssub.s32 $0x2, s5;
	s1 =	sor.u32 s0, s1  }
0x9: {  	[smem:$0x7FF] =	sst s4;
	s31 =	sshrl.u32 s29, $0x1;
	s7 =	smul.u32 $0x2710, s1  }
0xa: {  	s1 =	rddreg [dreg:$0x3];
	_ =	strace $0x8000004D;
	s30 =	sshrl.u32 s10, $0x2  }
0xb: {  	s28 =	sadd.s32 s9, s8;
	s16 =	ssub.s32 s29, s31;
	s5 =	sadd.s32 s30, s3  }
0xc: {  	s16 =	smax.u32 s16, $0x1;
	s7 =	sshrl.u32 s7, $0x3;
	s8 =	sadd.s32 $0x7800, s5  }
0xd: {  	s9 =	sadd.s32 $0xA000, s5;
	s10 =	sadd.s32 $0xC800, s5;
	s11 =	sadd.s32 $0xF000, s5  }
0xe: {  	s12 =	sadd.s32 $0x11800, s5;
	s14 =	sadd.s32 s7, s6;
	s7 =	sshrl.u32 s28, $0x3  }
0xf: {  	s15 =	sadd.s32 s7, s6;
	s6 =	sadd.s32 $0x2800, s5;
	s7 =	sadd.s32 $0x5000, s5  }
0x10: {  	v0 =	vimm.f32 $0.0e+00;
	s13 =	sadd.s32 $0x2800, s14;
	s14 =	sadd.s32 $0xC440, s14;
	s15 =	sadd.s32 $0x16200, s15  }
.LBB2_1:
0x11: {  	s25 =	simm.s32 $0x0;
	s26 =	simm.s32 $0x200  }
.LBB2_2:
0x12: {  	p0 =	sne.s32 s26, $0x9E00;
	[tilespmem:s25+$0x4F70] =	vst v0  }
0x13: {  	[tilespmem:s25+$0x4F00] =	vst v0  }
0x14: {  	[tilespmem:s25+$0x4F10] =	vst v0  }
.Ltmp0:
0x15: {  	[tilespmem:s25+$0x4F20] =	vst v0;
	(pc) =	sbr.rel @p0 .LBB2_2-.Ltmp0, $4  }
0x16: {  	[tilespmem:s25+$0x4F30] =	vst v0  }
0x17: {  	[tilespmem:s25+$0x4F40] =	vst v0  }
0x18: {  	[tilespmem:s25+$0x4F50] =	vst v0  }
0x19: {  	[tilespmem:s25+$0x4F60] =	vst v0;
	s25 =	sshra.s32 s26, $0x2;
	s26 =	sadd.s32 $0x200, s26  }
0x1a: {  	[tilespmem:s25+$0x4F70] =	vst v0  }
0x1b: {  	[tilespmem:s25+$0x4F00] =	vst v0  }
0x1c: {  	[tilespmem:s25+$0x4F10] =	vst v0  }
0x1d: {  	[tilespmem:s25+$0x4F20] =	vst v0  }
0x1e: {  	[tilespmem:s25+$0x4F30] =	vst v0  }
0x1f: {  	[tilespmem:s25+$0x4F40] =	vst v0  }
0x20: {  	[tilespmem:s25+$0x4F50] =	vst v0  }
0x21: {  	[tilespmem:s25+$0x4F60] =	vst v0  }
0x22: {  	[spmem:s5] =	stream.linear.scatter [tilespmem:s17], [sflag:$0x3], $0x2800, $0x38;
	[tilespmem:$0x1DB00] =	vst v63  }
0x23: {  	_ =	swait.ge [sflag:s18], $0x2800  }
0x24: {  	[sflag:s18] =	ssyncset.done $0x0  }
0x25: {  	[sflag:s18] =	ssyncadd.s32 $0xFFFFD800  }
0x26: {  	[spmem:s6] =	stream.linear.scatter [tilespmem:s17], [sflag:$0x3], $0x2800, $0x38;
	[tilespmem:$0x1DB00] =	vst v63  }
0x27: {  	_ =	swait.ge [sflag:s18], $0x2800  }
0x28: {  	[sflag:s18] =	ssyncset.done $0x0  }
0x29: {  	[sflag:s18] =	ssyncadd.s32 $0xFFFFD800  }
0x2a: {  	[spmem:s7] =	stream.linear.scatter [tilespmem:s17], [sflag:$0x3], $0x2800, $0x38;
	[tilespmem:$0x1DB00] =	vst v63  }
0x2b: {  	_ =	swait.ge [sflag:s18], $0x2800  }
0x2c: {  	[sflag:s18] =	ssyncset.done $0x0  }
0x2d: {  	[sflag:s18] =	ssyncadd.s32 $0xFFFFD800  }
0x2e: {  	[spmem:s8] =	stream.linear.scatter [tilespmem:s17], [sflag:$0x3], $0x2800, $0x38;
	[tilespmem:$0x1DB00] =	vst v63  }
0x2f: {  	_ =	swait.ge [sflag:s18], $0x2800  }
0x30: {  	[sflag:s18] =	ssyncset.done $0x0  }
0x31: {  	[sflag:s18] =	ssyncadd.s32 $0xFFFFD800  }
0x32: {  	[spmem:s9] =	stream.linear.scatter [tilespmem:s17], [sflag:$0x3], $0x2800, $0x38;
	[tilespmem:$0x1DB00] =	vst v63  }
0x33: {  	_ =	swait.ge [sflag:s18], $0x2800  }
0x34: {  	[sflag:s18] =	ssyncset.done $0x0  }
0x35: {  	[sflag:s18] =	ssyncadd.s32 $0xFFFFD800  }
0x36: {  	[spmem:s10] =	stream.linear.scatter [tilespmem:s17], [sflag:$0x3], $0x2800, $0x38;
	[tilespmem:$0x1DB00] =	vst v63  }
0x37: {  	_ =	swait.ge [sflag:s18], $0x2800  }
0x38: {  	[sflag:s18] =	ssyncset.done $0x0  }
0x39: {  	[sflag:s18] =	ssyncadd.s32 $0xFFFFD800  }
0x3a: {  	[spmem:s11] =	stream.linear.scatter [tilespmem:s17], [sflag:$0x3], $0x2800, $0x38;
	[tilespmem:$0x1DB00] =	vst v63  }
0x3b: {  	_ =	swait.ge [sflag:s18], $0x2800  }
0x3c: {  	[sflag:s18] =	ssyncset.done $0x0  }
0x3d: {  	[sflag:s18] =	ssyncadd.s32 $0xFFFFD800  }
0x3e: {  	[spmem:s12] =	stream.linear.scatter [tilespmem:s17], [sflag:$0x3], $0x2400, $0x38;
	[tilespmem:$0x1DB00] =	vst v63  }
0x3f: {  	_ =	swait.ge [sflag:s18], $0x2400  }
0x40: {  	[sflag:s18] =	ssyncset.done $0x0  }
0x41: {  	[sflag:s18] =	ssyncadd.s32 $0xFFFFDC00  }
0x42: {  	s26 =	simm.s32 $0x0;
	[bflag:$0x0] =	sbarrier.arrive $0xFFFF  }
0x43: {  	[tilespmem:s26], [sflag:$0x3] =	stream.linear.gather [hbm4b:s13+s26], $0x2710, $0x38;
	[tilespmem:$0x1DB00] =	vst v63  }
0x44: {  	_ =	swait.ge [sflag:s18], $0x2710  }
0x45: {  	[sflag:s18] =	ssyncset.done $0x0  }
0x46: {  	[sflag:s18] =	ssyncadd.s32 $0xFFFFD8F0  }
0x47: {  	[tilespmem:s19], [sflag:$0x3] =	stream.linear.gather [hbm4b:s14+s26], $0x2710, $0x38;
	[tilespmem:$0x1DB00] =	vst v63  }
0x48: {  	_ =	swait.ge [sflag:s18], $0x2710  }
0x49: {  	[sflag:s18] =	ssyncset.done $0x0  }
0x4a: {  	[sflag:s18] =	ssyncadd.s32 $0xFFFFD8F0  }
0x4b: {  	[tilespmem:s17], [sflag:$0x1] =	stream.indirect.gather [hbm4b:s2+s20], $0x80, s26, s20, $0xb8;
	[tilespmem:$0x1DB00] =	vst v63  }
0x4c: {  	s28 =	simm.s32 $0x50  }
0x4d: {  	[tilespmem:s21], [sflag:$0x2] =	stream.indirect.gather [hbm4b:s2+s20], $0x80, s28, s20, $0xb8;
	[tilespmem:$0x1DB00] =	vst v63  }
0x4e: {  	_ =	swait.ge [sflag:s22], $0x2800  }
0x4f: {  	[sflag:s22] =	ssyncset.done $0x0  }
0x50: {  	s29 =	simm.s32 $0x2780;
	[sflag:s22] =	ssyncadd.s32 $0xFFFFD800  }
0x51: {  	[spmem:s3] =	stream.indirect.scatter.add.f32 [tilespmem:s17], [sflag:$0x3], $0x80, s29, s20, $0xb8;
	[tilespmem:$0x1DB00] =	vst v63  }
0x52: {  	_ =	swait.ge [sflag:s18], $0x2800  }
0x53: {  	[sflag:s18] =	ssyncset.done $0x0  }
0x54: {  	s30 =	simm.s32 $0xA0;
	[sflag:s18] =	ssyncadd.s32 $0xFFFFD800  }
0x55: {  	[tilespmem:s17], [sflag:$0x1] =	stream.indirect.gather [hbm4b:s2+s20], $0x80, s30, s20, $0xb8;
	[tilespmem:$0x1DB00] =	vst v63  }
0x56: {  	_ =	swait.ge [sflag:s23], $0x2800  }
0x57: {  	[sflag:s23] =	ssyncset.done $0x0  }
0x58: {  	s31 =	simm.s32 $0x27D0;
	[sflag:s23] =	ssyncadd.s32 $0xFFFFD800  }
0x59: {  	[spmem:s3] =	stream.indirect.scatter.add.f32 [tilespmem:s21], [sflag:$0x3], $0x80, s31, s20, $0xb8;
	[tilespmem:$0x1DB00] =	vst v63  }
0x5a: {  	_ =	swait.ge [sflag:s18], $0x2800  }
0x5b: {  	s25 =	simm.s32 $0xA0;
	s26 =	simm.s32 $0x500;
	[sflag:s18] =	ssyncset.done $0x0  }
.LBB2_4:
0x5c: {  	s28 =	sadd.s32 $0x50, s25  }
0x5d: {  	[sflag:s18] =	ssyncadd.s32 $0xFFFFD800;
	s29 =	smov.u32 s26;
	s30 =	sadd.s32 $0x280, s26  }
0x5e: {  	[tilespmem:s21], [sflag:$0x2] =	stream.indirect.gather [hbm4b:s2+s20], $0x80, s28, s20, $0xb8;
	[tilespmem:$0x1DB00] =	vst v63  }
0x5f: {  	p0 =	sne.s32 s26, $0x9880;
	_ =	swait.ge [sflag:s22], $0x2800  }
0x60: {  	[sflag:s22] =	ssyncset.done $0x0  }
0x61: {  	s26 =	sadd.s32 $0x2780, s25;
	[sflag:s22] =	ssyncadd.s32 $0xFFFFD800  }
0x62: {  	[spmem:s3] =	stream.indirect.scatter.add.f32 [tilespmem:s17], [sflag:$0x3], $0x80, s26, s20, $0xb8;
	[tilespmem:$0x1DB00] =	vst v63  }
0x63: {  	_ =	swait.ge [sflag:s18], $0x2800  }
0x64: {  	[sflag:s18] =	ssyncset.done $0x0  }
0x65: {  	s26 =	sadd.s32 $0xA0, s25;
	[sflag:s18] =	ssyncadd.s32 $0xFFFFD800  }
0x66: {  	[tilespmem:s17], [sflag:$0x1] =	stream.indirect.gather [hbm4b:s2+s20], $0x80, s26, s20, $0xb8;
	[tilespmem:$0x1DB00] =	vst v63  }
0x67: {  	_ =	swait.ge [sflag:s23], $0x2800  }
.Ltmp1:
0x68: {  	[sflag:s23] =	ssyncset.done $0x0;
	(pc) =	sbr.rel @p0 .LBB2_4-.Ltmp1, $4  }
0x69: {  	s25 =	sadd.s32 $0x27D0, s25;
	[sflag:s23] =	ssyncadd.s32 $0xFFFFD800  }
0x6a: {  	[spmem:s3] =	stream.indirect.scatter.add.f32 [tilespmem:s21], [sflag:$0x3], $0x80, s25, s20, $0xb8;
	[tilespmem:$0x1DB00] =	vst v63  }
0x6b: {  	_ =	swait.ge [sflag:s18], $0x2800  }
0x6c: {  	s26 =	smov.u32 s30;
	s25 =	sshra.s32 s29, $0x2;
	[sflag:s18] =	ssyncset.done $0x0  }
0x6d: {  	s26 =	sadd.s32 $0x50, s25;
	[sflag:s18] =	ssyncadd.s32 $0xFFFFD800  }
0x6e: {  	[tilespmem:s21], [sflag:$0x2] =	stream.indirect.gather [hbm4b:s2+s20], $0x80, s26, s20, $0xb8;
	[tilespmem:$0x1DB00] =	vst v63  }
0x6f: {  	_ =	swait.ge [sflag:s22], $0x2800  }
0x70: {  	[sflag:s22] =	ssyncset.done $0x0  }
0x71: {  	s31 =	sadd.s32 $0x2780, s25;
	[sflag:s22] =	ssyncadd.s32 $0xFFFFD800  }
0x72: {  	[spmem:s3] =	stream.indirect.scatter.add.f32 [tilespmem:s17], [sflag:$0x3], $0x80, s31, s20, $0xb8;
	[tilespmem:$0x1DB00] =	vst v63  }
0x73: {  	_ =	swait.ge [sflag:s18], $0x2800  }
0x74: {  	[sflag:s18] =	ssyncset.done $0x0  }
0x75: {  	s28 =	sadd.s32 $0xA0, s25;
	[sflag:s18] =	ssyncadd.s32 $0xFFFFD800  }
0x76: {  	[tilespmem:s17], [sflag:$0x1] =	stream.indirect.gather [hbm4b:s2+s20], $0x80, s28, s20, $0xb8;
	[tilespmem:$0x1DB00] =	vst v63  }
0x77: {  	_ =	swait.ge [sflag:s23], $0x2800  }
0x78: {  	[sflag:s23] =	ssyncset.done $0x0  }
0x79: {  	s29 =	sadd.s32 $0x27D0, s25;
	[sflag:s23] =	ssyncadd.s32 $0xFFFFD800  }
0x7a: {  	[spmem:s3] =	stream.indirect.scatter.add.f32 [tilespmem:s21], [sflag:$0x3], $0x80, s29, s20, $0xb8;
	[tilespmem:$0x1DB00] =	vst v63  }
0x7b: {  	_ =	swait.ge [sflag:s18], $0x2800  }
0x7c: {  	[sflag:s18] =	ssyncset.done $0x0  }
0x7d: {  	[sflag:s18] =	ssyncadd.s32 $0xFFFFD800  }
0x7e: {  	_ =	swait.ge [sflag:s22], $0x2800  }
0x7f: {  	[sflag:s22] =	ssyncset.done $0x0  }
0x80: {  	[sflag:s22] =	ssyncadd.s32 $0xFFFFD800  }
0x81: {  	[spmem:s3] =	stream.indirect.scatter.add.f32 [tilespmem:s17], [sflag:$0x3], $0x80, s24, s20, $0xb8;
	[tilespmem:$0x1DB00] =	vst v63  }
0x82: {  	_ =	swait.ge [sflag:s18], $0x2800  }
0x83: {  	s30 =	sshll.u32 s0, $0x6;
	s4 =	sadd.s32 $0x1, s4;
	[sflag:s18] =	ssyncset.done $0x0  }
0x84: {  	s25 =	sor.u32 $0x1C03, s30;
	p0 =	sne.s32 s4, s16;
	[sflag:s18] =	ssyncadd.s32 $0xFFFFD800  }
.Ltmp2:
0x85: {  	s31 =	sshrl.u32 s5, $0x3;
	[bflag:$0x0] =	sbarrier.arrive $0xFFFF;
	(pc) =	sbr.rel @p0 .LBB2_1-.Ltmp2, $4  }
0x86: {  	[hbm:s15], [sflag:s25] =	dma.local [spmem:s31], $0x2780  }
0x87: {  	_ =	swait.ge [sflag:s18], $0x2780  }
0x88: {  	[sflag:s18] =	ssyncset.done $0x0  }
0x89: {  	[sflag:s18] =	ssyncadd.s32 $0xFFFFD880  }
0x8a: {  	_ =	sfence.sel $0x180000  }
0x8b: {  	[bflag:$0x0] =	sbarrier.arrive $0xFFFF  }
0x8c: {  	p0 =	sne.s32 s0, $0x0;
	_ =	strace $0x9000004D  }
0x8d: {  	s0 =	sadd.s32 @!p0 $0x100000, s1;
	[bflag:$0x2] =	sbarrier.arrive $0xFFFF  }
0x8e: {  	[sflag:s0] =	ssyncadd.tile.s32 @!p0 $0x1;
	_ =	shalt  }
.Lfunc_end2:
_tile_overlayer_lowered:
.L_overlay_start_2:
0x8f: {  	(tag) =	ssettag $0x2  }
0x90: {  	s0 =	rddreg [dreg:$0x0];
	s2 =	stileid.u32  }
0x91: {  	s1 =	rddreg [dreg:$0x1];
	p0 =	sne.s32 s2, $0x0  }
0x92: {  	s3 =	rddreg [dreg:$0x2];
	[bflag:$0x3] =	sbarrier.arrive $0xFFFF;
	s2 =	simm.s32 @!p0 $0x1C03  }
0x93: {  	[timem:s3], [sflag:s2] =	dma.local @!p0 [hbm:s0], s1  }
0x94: {  	s0 =	simm.s32 @!p0 $0x3  }
0x95: {  	_ =	swait.ge @!p0 [sflag:s0], s1  }
0x96: {  	s1 =	ssub.s32 @!p0 $0x0, s1;
	[sflag:s0] =	ssyncset.done @!p0 $0x0  }
0x97: {  	[sflag:s0] =	ssyncadd.s32 @!p0 s1  }
0x98: {  	[bflag:$0x3] =	sbarrier.arrive $0xFFFF  }
0x99: {  	_ =	shalt  }

// kernel: kernel.8.cloned.1.call-start
scs
__scs_entry_jumppad:
0x0: {  	(pc) =	sbr.rel $0x88, $3  }
0x1: {  	(tag) =	ssettag $0x0;
	lr =	simm.s32 $0x1  }
0x2: {  	[smem:$0x3F9B] =	sst lr;
	_ =	strace $0xD0000000  }
0x3: {  	_ = 	snop  }
0x4: {  	_ = 	snop  }
0x5: {  	_ = 	snop  }
0x6: {  	_ = 	snop  }
0x7: {  	_ = 	snop  }
__scs_overlays_trampoline_lowered:
0x8: {  	[smem:$0x3FAA] =	sst s0  }
0x9: {  	[smem:$0x3FAB] =	sst s1  }
0xa: {  	[smem:$0x3FAC] =	sst s2  }
0xb: {  	[smem:$0x3FAD] =	sst s3  }
0xc: {  	[smem:$0x3FAE] =	sst s4  }
0xd: {  	[smem:$0x3FAF] =	sst s5  }
0xe: {  	[smem:$0x3FB0] =	sst s6  }
0xf: {  	[smem:$0x3FB1] =	sst s7  }
0x10: {  	[smem:$0x3FB2] =	sst s8  }
0x11: {  	[smem:$0x3FB3] =	sst s9;
	s0 =	simm.s32 @!p0 $0x0  }
0x12: {  	s1 =	sld [smem:$0x3F99];
	s0 =	simm.s32 @p0 $0x1  }
0x13: {  	[smem:$0x3FB4] =	sst s0;
	s0 =	simm.s32 @!p1 $0x0  }
0x14: {  	s2 =	sld [smem:$0x3F98];
	s0 =	simm.s32 @p1 $0x1  }
0x15: {  	[smem:$0x3FB5] =	sst s0;
	s0 =	simm.s32 @!p2 $0x0  }
0x16: {  	s3 =	sld [smem:$0x3FDB];
	s0 =	simm.s32 @p2 $0x1  }
0x17: {  	s4 =	simm.s32 $0x1BF5;
	[smem:$0x3FB7] =	sst s0  }
0x18: {  	s0 =	sld [smem:$0x3F9A];
	_ =	swait.ge [sflag:s4], $0x0  }
0x19: {  	s7 =	sld [smem:$0x3F9B]  }
0x1a: {  	s8 =	sadd.s32 $0xFFFFE003, lr  }
0x1b: {  	s9 =	sadd.s32 $0xFFFFFEF7, lr;
	s5 =	simm.s32 $0xFFFFFFFF;
	p2 =	slt.u32 s8, $0xFFFFF086  }
0x1c: {  	p1 =	slt.u32 s9, $0xF7A;
	s5 =	simm.s32 @!p2 $0x0  }
0x1d: {  	s5 =	simm.s32 @p1 $0x1;
	p0 =	seq.s32 s7, s2  }
0x1e: {  	s7 =	smul.u32 @!p0 $0xF7A, s2;
	p2 =	seq.s32 @!p0 s5, $0x0  }
0x1f: {  	s9 =	smul.u32 $0xF7A, s1;
	s8 =	simm.s32 @!p0 $0x1BF5;
	p2 =	por !p2, p0  }
0x20: {  	[sflag:s8] =	ssyncset.s32 @!p0 $0xFFFFF086;
	s6 =	sadd.s32 @!p0 s3, s7;
	s7 =	simm.s32 @!p0 $0x108  }
0x21: {  	s3 =	sadd.s32 s3, s9;
	s6 =	sadd.s32 @!p0 $0x88, s6;
	s7 =	simm.s32 @p2 $0x1082  }
0x22: {  	[simem:s7], [sflag:s8] =	dma.local @!p0 [hbm:s6], $0xF7A  }
0x23: {  	s9 =	sor.u32 $0xD0000000, s2;
	s6 =	simm.s32 $0x108;
	_ =	swait.ge @!p0 [sflag:s8], $0x0  }
0x24: {  	s3 =	sadd.s32 $0x88, s3;
	s6 =	simm.s32 @!p1 $0x1082;
	[sflag:s4] =	ssyncset.s32 $0xFFFFF086  }
0x25: {  	[simem:s6], [sflag:s4] =	dma.local [hbm:s3], $0xF7A  }
0x26: {  	[smem:$0x3F9B] =	sst s1;
	(tag) =	ssettag s2;
	_ =	strace s9  }
0x27: {  	s1 =	sld [smem:$0x3FAB]  }
0x28: {  	s2 =	sld [smem:$0x3FAC]  }
0x29: {  	s4 =	sld [smem:$0x3FAE]  }
0x2a: {  	p0 =	seq.s32 s5, $0x0;
	s5 =	sld [smem:$0x3FAF]  }
0x2b: {  	s6 =	sld [smem:$0x3FB0]  }
0x2c: {  	s7 =	sld [smem:$0x3FB1]  }
0x2d: {  	s3 =	simm.s32 $0x108;
	s8 =	sld [smem:$0x3FB2]  }
0x2e: {  	s3 =	simm.s32 @!p0 $0x1082;
	s9 =	sld [smem:$0x3FB3]  }
0x2f: {  	lr =	sadd.s32 s0, s3;
	s0 =	sld [smem:$0x3FAA]  }
0x30: {  	s3 =	sld [smem:$0x3FAD]  }
0x31: {  	[smem:$0x3FB6] =	sst s10  }
0x32: {  	s10 =	sld [smem:$0x3FB4];
	_ =	sdelay $0x3  }
0x33: {  	p0 =	seq.s32 s10, $0x1;
	s10 =	sld [smem:$0x3FB6];
	_ =	sdelay $0x3  }
0x34: {  	[smem:$0x3FB6] =	sst s10  }
0x35: {  	s10 =	sld [smem:$0x3FB5];
	_ =	sdelay $0x3  }
0x36: {  	p1 =	seq.s32 s10, $0x1;
	s10 =	sld [smem:$0x3FB6];
	_ =	sdelay $0x3  }
0x37: {  	[smem:$0x3FB6] =	sst s10  }
0x38: {  	s10 =	sld [smem:$0x3FB7]  }
0x39: {  	_ = 	snop;
	(pc) =	sbr.ind lr, $3  }
0x3a: {  	_ = 	snop  }
0x3b: {  	_ = 	snop  }
0x3c: {  	p2 =	seq.s32 s10, $0x1;
	s10 =	sld [smem:$0x3FB6]  }
0x3d: {  	_ =	shalt  }
0x3e: {  	_ =	shalt  }
0x3f: {  	_ =	shalt  }
0x40: {  	_ =	shalt  }
0x41: {  	_ =	shalt  }
0x42: {  	_ =	shalt  }
0x43: {  	_ =	shalt  }
0x44: {  	_ =	shalt  }
0x45: {  	_ =	shalt  }
0x46: {  	_ =	shalt  }
0x47: {  	_ =	shalt  }
0x48: {  	_ =	shalt  }
0x49: {  	_ =	shalt  }
0x4a: {  	_ =	shalt  }
0x4b: {  	_ =	shalt  }
0x4c: {  	_ =	shalt  }
0x4d: {  	_ =	shalt  }
0x4e: {  	_ =	shalt  }
0x4f: {  	_ =	shalt  }
0x50: {  	_ =	shalt  }
0x51: {  	_ =	shalt  }
0x52: {  	_ =	shalt  }
0x53: {  	_ =	shalt  }
0x54: {  	_ =	shalt  }
0x55: {  	_ =	shalt  }
0x56: {  	_ =	shalt  }
0x57: {  	_ =	shalt  }
0x58: {  	_ =	shalt  }
0x59: {  	_ =	shalt  }
0x5a: {  	_ =	shalt  }
0x5b: {  	_ =	shalt  }
0x5c: {  	_ =	shalt  }
0x5d: {  	_ =	shalt  }
0x5e: {  	_ =	shalt  }
0x5f: {  	_ =	shalt  }
0x60: {  	_ =	shalt  }
0x61: {  	_ =	shalt  }
0x62: {  	_ =	shalt  }
0x63: {  	_ =	shalt  }
0x64: {  	_ =	shalt  }
0x65: {  	_ =	shalt  }
0x66: {  	_ =	shalt  }
0x67: {  	_ =	shalt  }
0x68: {  	_ =	shalt  }
0x69: {  	_ =	shalt  }
0x6a: {  	_ =	shalt  }
0x6b: {  	_ =	shalt  }
0x6c: {  	_ =	shalt  }
0x6d: {  	_ =	shalt  }
0x6e: {  	_ =	shalt  }
0x6f: {  	_ =	shalt  }
0x70: {  	_ =	shalt  }
0x71: {  	_ =	shalt  }
0x72: {  	_ =	shalt  }
0x73: {  	_ =	shalt  }
0x74: {  	_ =	shalt  }
0x75: {  	_ =	shalt  }
0x76: {  	_ =	shalt  }
0x77: {  	_ =	shalt  }
0x78: {  	_ =	shalt  }
0x79: {  	_ =	shalt  }
0x7a: {  	_ =	shalt  }
0x7b: {  	_ =	shalt  }
0x7c: {  	_ =	shalt  }
0x7d: {  	_ =	shalt  }
0x7e: {  	_ =	shalt  }
0x7f: {  	_ =	shalt  }
0x80: {  	_ =	shalt  }
0x81: {  	_ =	shalt  }
0x82: {  	_ =	shalt  }
0x83: {  	_ =	shalt  }
0x84: {  	_ =	shalt  }
0x85: {  	_ =	shalt  }
0x86: {  	_ =	shalt  }
0x87: {  	_ =	shalt  }
.Lfunc_end0:
.L_simem_size_0:
called_computation_lowered:
.L_overlay_start_0:
0x88: {  	s2 =	sld [smem:$0x3FD9]  }
0x89: {  	s3 =	sld [smem:$0x3FFE];
	_ =	sdelay $0x1  }
0x8a: {  	s1 =	srdreg.scid  }
0x8b: {  	s0 =	sand.u32 $0x1, s1  }
0x8c: {  	s17 =	sshll.u32 s0, $0xA;
	s2 =	sadd.s32 s3, s2  }
0x8d: {  	s2 =	sadd.s32 s2, s17  }
0x8e: {  	[smem:$0x3FC2] =	sst s2  }
0x8f: {  	_ = 	snop  }
0x90: {  	s2 =	sld [smem:$0x3FD0];
	(tm) =	ssettm $0x1  }
0x91: {  	s18 =	sld [smem:$0x3FFB];
	_ =	sdelay $0x3  }
0x92: {  	_ =	strace s18  }
0x93: {  	s3 =	sld [smem:$0x3FFC];
	_ =	sdelay $0x3  }
0x94: {  	_ =	strace s3  }
0x95: {  	s3 =	sld [smem:$0x3FFD];
	_ =	sdelay $0x3  }
0x96: {  	_ =	strace s3  }
0x97: {  	_ =	strace $0x8FFFFFFF  }
0x98: {  	s19 =	sld [smem:$0x3FDB];
	_ =	sdelay $0x1  }
0x99: {  	s4 =	simm.s32 $_scs_section_size  }
0x9a: {  	s5 =	simm.s32 $_size__tile_overlayer_lowered;
	s6 =	simm.s32 $_tile_overlayer_lowered  }
0x9b: {  	s22 =	simm.s32 $0x1BFF;
	s21 =	sshll.u32 s6, $0x1;
	s3 =	sadd.s32 s4, s19  }
0x9c: {  	s7 =	simm.s32 $0x0;
	s20 =	sshll.u32 s5, $0x1;
	s5 =	sadd.s32 s21, s3  }
0x9d: {  	[timem:s7], [sflag:s22] =	dma.local [hbm:s5], s20  }
0x9e: {  	_ =	swait.ge [sflag:s22], s20  }
0x9f: {  	s4 =	ssub.s32 $0x0, s20;
	[sflag:s22] =	ssyncset.done $0x0  }
0xa0: {  	[sflag:s22] =	ssyncadd.s32 s4;
	_ =	sdelay $0x1  }
0xa1: {  	s23 =	simm.s32 $0x1B8B  }
0xa2: {  	_ =	swait.ge [sflag:s23], $0x1  }
0xa3: {  	[sflag:s23] =	ssyncset.done $0x0  }
0xa4: {  	s25 =	simm.s32 $0x1B8E;
	s24 =	sld [smem:$0x3FFE];
	[sflag:s23] =	ssyncadd.s32 $0xFFFFFFFF  }
0xa5: {  	s26 =	simm.s32 $execute0_lowered;
	[smem:$0x3FD2] =	sst s25  }
0xa6: {  	s5 =	sshll.u32 s26, $0x1;
	_ =	strace $0x80000046;
	[dreg:$0x1] =	wrdreg $0xFFFFFFFF  }
0xa7: {  	s28 =	simm.s32 $_size_execute0_lowered;
	s3 =	sadd.s32 s3, s5;
	[dreg:$0x0] =	wrdreg $0x0  }
0xa8: {  	s5 =	sshll.u32 s28, $0x1;
	[dreg:$0x2] =	wrdreg s3  }
0xa9: {  	[dreg:$0x3] =	wrdreg s5  }
0xaa: {  	[dreg:$0x4] =	wrdreg $0xC0  }
0xab: {  	_ =	task [dreg:s7], $0x5FFFF  }
0xac: {  	[dreg:$0x1] =	wrdreg $0xFFFFFFFF  }
0xad: {  	[dreg:$0x0] =	wrdreg $0x60  }
0xae: {  	[dreg:$0x2] =	wrdreg s24  }
0xaf: {  	[dreg:$0x3] =	wrdreg s2  }
0xb0: {  	[dreg:$0x4] =	wrdreg $0x2A800  }
0xb1: {  	[dreg:$0x5] =	wrdreg $0x9  }
0xb2: {  	_ =	task.clear_ibuf [dreg:s7], $0x6FFFF;
	_ =	strace $0x90000046  }
0xb3: {  	s29 =	simm.s32 $0x9;
	_ =	strace $0x80000048  }
0xb4: {  	_ =	swait.ge [sflag:s29], $0x1  }
0xb5: {  	[sflag:s29] =	ssyncadd.s32 $0xFFFFFFFF  }
0xb6: {  	_ =	strace $0x90000048  }
0xb7: {  	_ =	sfence  }
0xb8: {  	s30 =	sld [smem:$0x0];
	_ =	sdelay $0x2  }
0xb9: {  	s31 =	sshll.u32 s1, $0xD;
	s1 =	sshrl.u32 s1, $0x2  }
0xba: {  	s3 =	sand.u32 $0x4000, s31;
	s1 =	sadd.s32 s1, s30  }
0xbb: {  	s0 =	sor.u32 s3, s0;
	s1 =	sshll.u32 s1, $0x11  }
0xbc: {  	s0 =	sor.u32 s1, s0  }
0xbd: {  	s0 =	sadd.s32 $0x8F2B, s0  }
0xbe: {  	[sflag:s0] =	ssyncadd.remote.s32 $0x1  }
0xbf: {  	_ =	sfence.sel $0xFFFF  }
0xc0: {  	[dreg:$0x0] =	wrdreg $0xFFFFFFFF;
	(pc) =	sbr.abs _section_cstart, $3  }
0xc1: {  	[dreg:$0x1] =	wrdreg $0xFFFFFFFF  }
0xc2: {  	_ =	task.clear_ibuf [dreg:s7], $0x2FFFF;
	_ =	strace $0x9FFFFFFF  }
0xc3: {  	(tm) =	ssettm $0x7FFFFFFF  }
tec
execute0_lowered:
.L_overlay_start_1:
0x0: {  	(tag) =	ssettag $0x1  }
0x1: {  	s11 =	rddreg [dreg:$0x0]  }
0x2: {  	s13 =	rddreg [dreg:$0x1]  }
0x3: {  	s2 =	rddreg [dreg:$0x2]  }
0x4: {  	s0 =	rddreg [dreg:$0x3]  }
0x5: {  	s3 =	simm.s32 $0x0;
	s4 =	srdreg.scid;
	s1 =	stileid.u32  }
0x6: {  	s17 =	simm.s32 $0x50;
	s18 =	simm.s32 $0x350;
	s19 =	simm.s32 $0x3A0  }
0x7: {  	s20 =	simm.s32 $0x3F0;
	s21 =	simm.s32 $0x1;
	s22 =	simm.s32 $0x2  }
0x8: {  	s23 =	simm.s32 $0x3;
	s24 =	simm.s32 $0x4;
	s25 =	simm.s32 $0x29C0  }
0x9: {  	s26 =	simm.s32 $0x80;
	s28 =	simm.s32 $0x0;
	[smem:$0x7FF] =	sst s3  }
0xa: {  	s8 =	sand.u32 $0x1, s4;
	s12 =	smul.u32 $0x278, s1;
	_ =	strace $0x80000047  }
0xb: {  	s5 =	ssub.s32 $0x2, s8;
	s6 =	sshll.u32 s8, $0x4;
	s15 =	smul.u32 $0x2780, s8  }
0xc: {  	s7 =	sshrl.u32 s5, $0x1;
	s4 =	sadd.s32 s12, s2;
	s6 =	sor.u32 s1, s6  }
0xd: {  	s14 =	ssub.s32 s5, s7;
	s5 =	sadd.s32 $0x50, s4;
	s10 =	smul.u32 $0x2710, s6  }
0xe: {  	s6 =	sadd.s32 $0xA0, s4;
	s7 =	sadd.s32 $0xF0, s4;
	s15 =	sadd.s32 s12, s15  }
0xf: {  	s8 =	sadd.s32 $0x140, s4;
	s9 =	sadd.s32 $0x190, s4;
	s15 =	sshrl.u32 s15, $0x3  }
0x10: {  	s14 =	smax.u32 s14, $0x1;
	s16 =	sshrl.u32 s10, $0x3;
	s10 =	sadd.s32 $0x1E0, s4  }
0x11: {  	s13 =	sadd.s32 s13, s15;
	s15 =	simm.s32 $0x5;
	s16 =	sadd.s32 s11, s16  }
0x12: {  	v0 =	vimm.f32 $0.0e+00;
	v1 =	vimm.f32 $1.000000000e+00;
	s11 =	sadd.s32 $0x230, s4;
	s12 =	sadd.s32 $0xC440, s16;
	s16 =	simm.s32 $0x300  }
.LBB2_1:
0x13: {  	[tilespmem:$0x0] =	vst v0  }
0x14: {  	[tilespmem:$0x10] =	vst v0  }
0x15: {  	[tilespmem:$0x20] =	vst v0  }
0x16: {  	[tilespmem:$0x30] =	vst v0  }
0x17: {  	[tilespmem:$0x40] =	vst v0  }
0x18: {  	[spmem:s4] =	stream.linear.scatter [tilespmem:s3], [sflag:$0x5], $0x50, $0x38;
	[tilespmem:$0x2CF8] =	vst v63  }
0x19: {  	_ =	swait.ge [sflag:s15], $0x50  }
0x1a: {  	[sflag:s15] =	ssyncset.done $0x0  }
0x1b: {  	[sflag:s15] =	ssyncadd.s32 $0xFFFFFFB0  }
0x1c: {  	[spmem:s5] =	stream.linear.scatter [tilespmem:s3], [sflag:$0x5], $0x50, $0x38;
	[tilespmem:$0x2CF8] =	vst v63  }
0x1d: {  	_ =	swait.ge [sflag:s15], $0x50  }
0x1e: {  	[sflag:s15] =	ssyncset.done $0x0  }
0x1f: {  	[sflag:s15] =	ssyncadd.s32 $0xFFFFFFB0  }
0x20: {  	[spmem:s6] =	stream.linear.scatter [tilespmem:s3], [sflag:$0x5], $0x50, $0x38;
	[tilespmem:$0x2CF8] =	vst v63  }
0x21: {  	_ =	swait.ge [sflag:s15], $0x50  }
0x22: {  	[sflag:s15] =	ssyncset.done $0x0  }
0x23: {  	[sflag:s15] =	ssyncadd.s32 $0xFFFFFFB0  }
0x24: {  	[spmem:s7] =	stream.linear.scatter [tilespmem:s3], [sflag:$0x5], $0x50, $0x38;
	[tilespmem:$0x2CF8] =	vst v63  }
0x25: {  	_ =	swait.ge [sflag:s15], $0x50  }
0x26: {  	[sflag:s15] =	ssyncset.done $0x0  }
0x27: {  	[sflag:s15] =	ssyncadd.s32 $0xFFFFFFB0  }
0x28: {  	[spmem:s8] =	stream.linear.scatter [tilespmem:s3], [sflag:$0x5], $0x50, $0x38;
	[tilespmem:$0x2CF8] =	vst v63  }
0x29: {  	_ =	swait.ge [sflag:s15], $0x50  }
0x2a: {  	[sflag:s15] =	ssyncset.done $0x0  }
0x2b: {  	[sflag:s15] =	ssyncadd.s32 $0xFFFFFFB0  }
0x2c: {  	[spmem:s9] =	stream.linear.scatter [tilespmem:s3], [sflag:$0x5], $0x50, $0x38;
	[tilespmem:$0x2CF8] =	vst v63  }
0x2d: {  	_ =	swait.ge [sflag:s15], $0x50  }
0x2e: {  	[sflag:s15] =	ssyncset.done $0x0  }
0x2f: {  	[sflag:s15] =	ssyncadd.s32 $0xFFFFFFB0  }
0x30: {  	[spmem:s10] =	stream.linear.scatter [tilespmem:s3], [sflag:$0x5], $0x50, $0x38;
	[tilespmem:$0x2CF8] =	vst v63  }
0x31: {  	_ =	swait.ge [sflag:s15], $0x50  }
0x32: {  	[sflag:s15] =	ssyncset.done $0x0  }
0x33: {  	[sflag:s15] =	ssyncadd.s32 $0xFFFFFFB0  }
0x34: {  	[spmem:s11] =	stream.linear.scatter [tilespmem:s3], [sflag:$0x5], $0x48, $0x38;
	[tilespmem:$0x2CF8] =	vst v63  }
0x35: {  	_ =	swait.ge [sflag:s15], $0x48  }
0x36: {  	[sflag:s15] =	ssyncset.done $0x0  }
0x37: {  	[sflag:s15] =	ssyncadd.s32 $0xFFFFFFB8  }
0x38: {  	[tilespmem:$0x0] =	vst v1  }
0x39: {  	[tilespmem:$0x10] =	vst v1  }
0x3a: {  	[tilespmem:$0x20] =	vst v1  }
0x3b: {  	[tilespmem:$0x30] =	vst v1  }
0x3c: {  	[tilespmem:$0x40] =	vst v1  }
0x3d: {  	[bflag:$0x0] =	sbarrier.arrive $0xFFFF  }
0x3e: {  	[tilespmem:s16], [sflag:$0x5] =	stream.linear.gather [hbm4b:s12+s3], $0x2710, $0x38;
	[tilespmem:$0x2CF8] =	vst v63  }
0x3f: {  	_ =	swait.ge [sflag:s15], $0x2710  }
0x40: {  	[sflag:s15] =	ssyncset.done $0x0  }
0x41: {  	[sflag:s15] =	ssyncadd.s32 $0xFFFFD8F0  }
0x42: {  	[spmem:s2] =	stream.indirect.scatter.add.f32 [tilespmem:s3], [sflag:$0x1], $0x1, s16, s17, $0xb8;
	[tilespmem:$0x2CF8] =	vst v63  }
0x43: {  	_ = 	snop  }
0x44: {  	[spmem:s2] =	stream.indirect.scatter.add.f32 [tilespmem:s3], [sflag:$0x2], $0x1, s18, s17, $0xb8;
	[tilespmem:$0x2CF8] =	vst v63  }
0x45: {  	_ = 	snop  }
0x46: {  	[spmem:s2] =	stream.indirect.scatter.add.f32 [tilespmem:s3], [sflag:$0x3], $0x1, s19, s17, $0xb8;
	[tilespmem:$0x2CF8] =	vst v63  }
0x47: {  	_ = 	snop  }
0x48: {  	[spmem:s2] =	stream.indirect.scatter.add.f32 [tilespmem:s3], [sflag:$0x4], $0x1, s20, s17, $0xb8;
	[tilespmem:$0x2CF8] =	vst v63  }
0x49: {  	_ =	swait.ge [sflag:s21], $0x50  }
0x4a: {  	[sflag:s21] =	ssyncset.done $0x0  }
0x4b: {  	s29 =	simm.s32 $0x440;
	[sflag:s21] =	ssyncadd.s32 $0xFFFFFFB0  }
0x4c: {  	[spmem:s2] =	stream.indirect.scatter.add.f32 [tilespmem:s3], [sflag:$0x1], $0x1, s29, s17, $0xb8;
	[tilespmem:$0x2CF8] =	vst v63  }
0x4d: {  	_ =	swait.ge [sflag:s22], $0x50  }
0x4e: {  	[sflag:s22] =	ssyncset.done $0x0  }
0x4f: {  	s29 =	simm.s32 $0x490;
	[sflag:s22] =	ssyncadd.s32 $0xFFFFFFB0  }
0x50: {  	[spmem:s2] =	stream.indirect.scatter.add.f32 [tilespmem:s3], [sflag:$0x2], $0x1, s29, s17, $0xb8;
	[tilespmem:$0x2CF8] =	vst v63  }
0x51: {  	_ =	swait.ge [sflag:s23], $0x50  }
0x52: {  	[sflag:s23] =	ssyncset.done $0x0  }
0x53: {  	s29 =	simm.s32 $0x4E0;
	[sflag:s23] =	ssyncadd.s32 $0xFFFFFFB0  }
0x54: {  	[spmem:s2] =	stream.indirect.scatter.add.f32 [tilespmem:s3], [sflag:$0x3], $0x1, s29, s17, $0xb8;
	[tilespmem:$0x2CF8] =	vst v63  }
0x55: {  	_ =	swait.ge [sflag:s24], $0x50  }
0x56: {  	[sflag:s24] =	ssyncset.done $0x0  }
0x57: {  	s30 =	simm.s32 $0x530;
	s29 =	simm.s32 $0xFFFF6F00;
	[sflag:s24] =	ssyncadd.s32 $0xFFFFFFB0  }
.LBB2_2:
0x58: {  	[spmem:s2] =	stream.indirect.scatter.add.f32 [tilespmem:s3], [sflag:$0x4], $0x1, s30, s17, $0xb8;
	[tilespmem:$0x2CF8] =	vst v63  }
0x59: {  	s30 =	smov.u32 s29  }
0x5a: {  	p0 =	sne.s32 s29, $0xFFFFFB00;
	s29 =	sadd.s32 $0x500, s29;
	_ =	swait.ge [sflag:s21], $0x50  }
0x5b: {  	s30 =	sshra.s32 s30, $0x2;
	[sflag:s21] =	ssyncset.done $0x0  }
0x5c: {  	s31 =	sadd.s32 $0x29C0, s30;
	[sflag:s21] =	ssyncadd.s32 $0xFFFFFFB0  }
0x5d: {  	[spmem:s2] =	stream.indirect.scatter.add.f32 [tilespmem:s3], [sflag:$0x1], $0x1, s31, s17, $0xb8;
	[tilespmem:$0x2CF8] =	vst v63  }
0x5e: {  	_ =	swait.ge [sflag:s22], $0x50  }
0x5f: {  	[sflag:s22] =	ssyncset.done $0x0  }
0x60: {  	s31 =	sadd.s32 $0x2A10, s30;
	[sflag:s22] =	ssyncadd.s32 $0xFFFFFFB0  }
0x61: {  	[spmem:s2] =	stream.indirect.scatter.add.f32 [tilespmem:s3], [sflag:$0x2], $0x1, s31, s17, $0xb8;
	[tilespmem:$0x2CF8] =	vst v63  }
0x62: {  	_ =	swait.ge [sflag:s23], $0x50  }
0x63: {  	[sflag:s23] =	ssyncset.done $0x0  }
.Ltmp0:
0x64: {  	s31 =	sadd.s32 $0x2A60, s30;
	[sflag:s23] =	ssyncadd.s32 $0xFFFFFFB0;
	(pc) =	sbr.rel @p0 .LBB2_2-.Ltmp0, $4  }
0x65: {  	[spmem:s2] =	stream.indirect.scatter.add.f32 [tilespmem:s3], [sflag:$0x3], $0x1, s31, s17, $0xb8;
	[tilespmem:$0x2CF8] =	vst v63  }
0x66: {  	_ =	swait.ge [sflag:s24], $0x50  }
0x67: {  	[sflag:s24] =	ssyncset.done $0x0  }
0x68: {  	s30 =	sadd.s32 $0x2AB0, s30;
	[sflag:s24] =	ssyncadd.s32 $0xFFFFFFB0  }
0x69: {  	[spmem:s2] =	stream.indirect.scatter.add.f32 [tilespmem:s3], [sflag:$0x4], $0x1, s30, s17, $0xb8;
	[tilespmem:$0x2CF8] =	vst v63  }
0x6a: {  	_ =	swait.ge [sflag:s21], $0x50  }
0x6b: {  	[sflag:s21] =	ssyncset.done $0x0  }
0x6c: {  	[sflag:s21] =	ssyncadd.s32 $0xFFFFFFB0  }
0x6d: {  	[spmem:s2] =	stream.indirect.scatter.add.f32 [tilespmem:s3], [sflag:$0x1], $0x1, s25, s17, $0xb8;
	[tilespmem:$0x2CF8] =	vst v63  }
0x6e: {  	_ =	swait.ge [sflag:s22], $0x50  }
0x6f: {  	[sflag:s22] =	ssyncset.done $0x0  }
0x70: {  	[sflag:s22] =	ssyncadd.s32 $0xFFFFFFB0  }
0x71: {  	_ =	swait.ge [sflag:s23], $0x50  }
0x72: {  	[sflag:s23] =	ssyncset.done $0x0  }
0x73: {  	[sflag:s23] =	ssyncadd.s32 $0xFFFFFFB0  }
0x74: {  	_ =	swait.ge [sflag:s24], $0x50  }
0x75: {  	[sflag:s24] =	ssyncset.done $0x0  }
0x76: {  	[sflag:s24] =	ssyncadd.s32 $0xFFFFFFB0  }
0x77: {  	_ =	swait.ge [sflag:s21], $0x50  }
0x78: {  	[sflag:s21] =	ssyncset.done $0x0  }
0x79: {  	[sflag:s21] =	ssyncadd.s32 $0xFFFFFFB0  }
0x7a: {  	[bflag:$0x0] =	sbarrier.arrive $0xFFFF  }
0x7b: {  	[tilespmem:s26], [sflag:$0x5] =	stream.linear.gather [spmem:s4], $0x278, $0x38;
	[tilespmem:$0x2CF8] =	vst v63  }
0x7c: {  	s28 =	sadd.s32 $0x1, s28;
	_ =	swait.ge [sflag:s15], $0x278  }
0x7d: {  	p0 =	sne.s32 s28, s14;
	[sflag:s15] =	ssyncset.done $0x0  }
.Ltmp1:
0x7e: {  	[sflag:s15] =	ssyncadd.s32 $0xFFFFFD88;
	(pc) =	sbr.rel @p0 .LBB2_1-.Ltmp1, $4  }
0x7f: {  	[hbm4b:s13+s3] =	stream.linear.scatter [tilespmem:s26], [sflag:$0x5], $0x278, $0x38;
	[tilespmem:$0x2CF8] =	vst v63  }
0x80: {  	_ =	swait.ge [sflag:s15], $0x278  }
0x81: {  	[sflag:s15] =	ssyncset.done $0x0  }
0x82: {  	[sflag:s15] =	ssyncadd.s32 $0xFFFFFD88  }
0x83: {  	_ =	sfence.sel $0x180000  }
0x84: {  	[bflag:$0x0] =	sbarrier.arrive $0xFFFF  }
0x85: {  	p0 =	sne.s32 s1, $0x0;
	_ =	strace $0x90000047  }
0x86: {  	s0 =	sadd.s32 @!p0 $0x100000, s0;
	[bflag:$0x2] =	sbarrier.arrive $0xFFFF  }
0x87: {  	[sflag:s0] =	ssyncadd.tile.s32 @!p0 $0x1;
	_ =	shalt  }
.Lfunc_end2:
_tile_overlayer_lowered:
.L_overlay_start_2:
0x88: {  	(tag) =	ssettag $0x2  }
0x89: {  	s0 =	rddreg [dreg:$0x0];
	s2 =	stileid.u32  }
0x8a: {  	s1 =	rddreg [dreg:$0x1];
	p0 =	sne.s32 s2, $0x0  }
0x8b: {  	s3 =	rddreg [dreg:$0x2];
	[bflag:$0x3] =	sbarrier.arrive $0xFFFF;
	s2 =	simm.s32 @!p0 $0x1C05  }
0x8c: {  	[timem:s3], [sflag:s2] =	dma.local @!p0 [hbm:s0], s1  }
0x8d: {  	s0 =	simm.s32 @!p0 $0x5  }
0x8e: {  	_ =	swait.ge @!p0 [sflag:s0], s1  }
0x8f: {  	s1 =	ssub.s32 @!p0 $0x0, s1;
	[sflag:s0] =	ssyncset.done @!p0 $0x0  }
0x90: {  	[sflag:s0] =	ssyncadd.s32 @!p0 s1  }
0x91: {  	[bflag:$0x3] =	sbarrier.arrive $0xFFFF  }
0x92: {  	_ =	shalt  }

</sc_bundles>
